<compile_context>
chip_gen: v7x
topology: tpu7x:2x2x1
jax: 0.10.2.dev20260603
libtpu: 0.0.44.dev20260713+nightly
codegen_flags: <defaults>
</compile_context>

<pallas_src>
import functools

import jax
import jax.numpy as jnp
from jax import lax
from jax.experimental import pallas as pl
from jax.experimental.pallas import tpu as pltpu
from jax.experimental.pallas import tpu_sc as plsc

D_MODEL = 1024
N_EXPERTS = 8
TOP_K = 2
FFN = 4096
T = 2048
M = T * TOP_K

BM = 512
M_TILES = M // BM
W = M_TILES + N_EXPERTS - 1
BF = 512
N_F = FFN // BF

_CH = 512
_N_CH = T // _CH


def _plan_kernel(x_ref, rw_ref, pos_ref, wts_ref, wexp_ref, wtile_ref,
                 wrs_ref, wre_ref):
    x = x_ref[...]
    rw = rw_ref[...]
    logits = jax.lax.dot_general(
        x, rw, (((1,), (1,)), ((), ())), preferred_element_type=jnp.float32
    )
    m = jnp.max(logits, axis=1, keepdims=True)
    ex = jnp.exp(logits - m)
    probs = ex / jnp.sum(ex, axis=1, keepdims=True)
    idx = jax.lax.broadcasted_iota(jnp.int32, probs.shape, 1)
    big = jnp.int32(N_EXPERTS + 1)
    p1 = jnp.max(probs, axis=1, keepdims=True)
    i1 = jnp.min(jnp.where(probs == p1, idx, big), axis=1, keepdims=True)
    m1 = idx == i1
    probs2 = jnp.where(m1, -1.0, probs)
    p2 = jnp.max(probs2, axis=1, keepdims=True)
    i2 = jnp.min(jnp.where(probs2 == p2, idx, big), axis=1, keepdims=True)
    m2 = idx == i2
    denom = p1 + p2
    w1 = p1 / denom
    w2 = p2 / denom

    oh = m1.astype(jnp.float32) + m2.astype(jnp.float32)
    r = jax.lax.broadcasted_iota(jnp.int32, (_CH, _CH), 0)
    c = jax.lax.broadcasted_iota(jnp.int32, (_CH, _CH), 1)
    tri = (r > c).astype(jnp.float32)
    chunks = []
    carry = jnp.zeros((1, N_EXPERTS), jnp.float32)
    for ci in range(_N_CH):
        ohc = oh[ci * _CH:(ci + 1) * _CH, :]
        sc = jax.lax.dot_general(
            tri, ohc, (((1,), (0,)), ((), ())),
            preferred_element_type=jnp.float32) + carry
        chunks.append(sc)
        carry = carry + jnp.sum(ohc, axis=0, keepdims=True)
    s = jnp.concatenate(chunks, axis=0)
    counts = carry

    def _cumsum_lanes(row, exclusive):
        cols = []
        acc = jnp.zeros((1, 1), row.dtype)
        for e in range(N_EXPERTS):
            cur = acc + row[0:1, e:e + 1]
            cols.append(acc if exclusive else cur)
            acc = cur
        return jnp.concatenate(cols, axis=1)

    off = _cumsum_lanes(counts, True)
    off_end = off + counts

    base = off + s
    pos0 = jnp.sum(jnp.where(m1, base, 0.0), axis=1, keepdims=True)
    pos1 = jnp.sum(jnp.where(m2, base, 0.0), axis=1, keepdims=True)
    pos_ref[...] = jnp.concatenate([pos0, pos1], axis=1).astype(jnp.int32)
    wts_ref[...] = jnp.concatenate([w1, w2], axis=1)

    offi = off.astype(jnp.int32)
    endi = off_end.astype(jnp.int32)
    cnti = counts.astype(jnp.int32)
    start_t = offi // BM
    end_t = jnp.where(cnti > 0, (endi - 1) // BM, -1)
    tiles = jnp.where(cnti > 0, end_t - start_t + 1, 0)
    cum_in = _cumsum_lanes(tiles, False)
    cum_ex = _cumsum_lanes(tiles, True)
    total = cum_in[0:1, N_EXPERTS - 1:N_EXPERTS]

    wi = jax.lax.broadcasted_iota(jnp.int32, (1, W), 1)
    ew = jnp.zeros((1, W), jnp.int32)
    for e in range(N_EXPERTS):
        ew = ew + (cum_in[0:1, e:e + 1] <= wi).astype(jnp.int32)
    ew = jnp.minimum(ew, N_EXPERTS - 1)

    def sel(arr):
        out = jnp.zeros((1, W), jnp.int32)
        for e in range(N_EXPERTS):
            out = out + jnp.where(ew == e, arr[0:1, e:e + 1], 0)
        return out

    tile_w = sel(start_t) + (wi - sel(cum_ex))
    tile_w = jnp.clip(tile_w, 0, M_TILES - 1)
    rs = jnp.maximum(sel(offi), tile_w * BM)
    re = jnp.minimum(sel(endi), tile_w * BM + BM)
    re = jnp.where(wi < total, re, 0)
    wexp_ref[...] = ew
    wtile_ref[...] = tile_w
    wrs_ref[...] = rs
    wre_ref[...] = re


_NW = 32
_TPW = T // _NW


@functools.cache
def _sc_scatter_kernel():
    mesh = plsc.VectorSubcoreMesh(core_axis_name="c", subcore_axis_name="s")

    @functools.partial(
        pl.kernel, mesh=mesh,
        out_type=jax.ShapeDtypeStruct((M, D_MODEL), jnp.float32),
        scratch_types=[
            pltpu.VMEM((_TPW,), jnp.int32),
            pltpu.VMEM((_TPW,), jnp.int32),
            pltpu.VMEM((_TPW, D_MODEL), jnp.float32),
            pltpu.SemaphoreType.DMA,
        ],
    )
    def _sc_scatter(x_hbm, p0_hbm, p1_hbm, xs_hbm, idx0_v, idx1_v, rows_v,
                    sem):
        wid = lax.axis_index("s") * 2 + lax.axis_index("c")
        base = wid * _TPW
        pltpu.sync_copy(p0_hbm.at[wid], idx0_v)
        pltpu.sync_copy(p1_hbm.at[wid], idx1_v)
        pltpu.sync_copy(x_hbm.at[pl.ds(base, _TPW)], rows_v)
        pltpu.async_copy(rows_v, xs_hbm.at[idx0_v], sem).wait()
        pltpu.async_copy(rows_v, xs_hbm.at[idx1_v], sem).wait()

    return _sc_scatter


def _group_mm_kernel(wexp_ref, wtile_ref, wrs_ref, wre_ref,
                     xs_ref, w1_ref, v1_ref, w2_ref, ys_ref):
    f = pl.program_id(0)
    w = pl.program_id(1)

    @pl.when((f == 0) & (w == 0))
    def _init():
        ys_ref[...] = jnp.zeros_like(ys_ref)

    rs = wrs_ref[0, w]
    re = wre_ref[0, w]
    st = wtile_ref[0, w]

    @pl.when(re > rs)
    def _work():
        xt = xs_ref[pl.ds(st * BM, BM), :]
        gate = jax.lax.dot_general(
            xt, w1_ref[0], (((1,), (1,)), ((), ())),
            preferred_element_type=jnp.float32)
        up = jax.lax.dot_general(
            xt, v1_ref[0], (((1,), (1,)), ((), ())),
            preferred_element_type=jnp.float32)
        act = gate * jax.lax.logistic(gate) * up
        gidx = st * BM + jax.lax.broadcasted_iota(jnp.int32, (BM, 1), 0)
        mask = (gidx >= rs) & (gidx < re)
        act = jnp.where(mask, act, 0.0)
        ys_ref[pl.ds(st * BM, BM), :] += jax.lax.dot_general(
            act, w2_ref[0], (((1,), (1,)), ((), ())),
            preferred_element_type=jnp.float32)


def _combine_kernel(pos_ref, wts_ref, ys_ref, out_ref):
    p = pos_ref[...]
    wt = wts_ref[...]
    bt = p.shape[0]
    sl = jax.lax.broadcasted_iota(jnp.int32, (bt, M), 1)
    a = jnp.where(sl == p[:, 0:1], wt[:, 0:1], 0.0) + jnp.where(
        sl == p[:, 1:2], wt[:, 1:2], 0.0)
    out_ref[...] = jax.lax.dot_general(
        a, ys_ref[...], (((1,), (0,)), ((), ())),
        preferred_element_type=jnp.float32)


def kernel(hidden_states, router_weight, ws, w2s):
    x = hidden_states.reshape(-1, D_MODEL)

    pos, wts, wexp, wtile, wrs, wre = pl.pallas_call(
        _plan_kernel,
        out_shape=(
            jax.ShapeDtypeStruct((T, TOP_K), jnp.int32),
            jax.ShapeDtypeStruct((T, TOP_K), jnp.float32),
            jax.ShapeDtypeStruct((1, W), jnp.int32),
            jax.ShapeDtypeStruct((1, W), jnp.int32),
            jax.ShapeDtypeStruct((1, W), jnp.int32),
            jax.ShapeDtypeStruct((1, W), jnp.int32),
        ),
    )(x, router_weight)

    p0 = pos[:, 0].reshape(_NW, _TPW)
    p1 = pos[:, 1].reshape(_NW, _TPW)
    xs = _sc_scatter_kernel()(x, p0, p1)

    ys = pl.pallas_call(
        _group_mm_kernel,
        grid_spec=pltpu.PrefetchScalarGridSpec(
            num_scalar_prefetch=4,
            grid=(N_F, W),
            in_specs=[
                pl.BlockSpec((M, D_MODEL), lambda f, w, se, st, rs, re: (0, 0)),
                pl.BlockSpec(
                    (1, BF, D_MODEL),
                    lambda f, w, se, st, rs, re: (se[0, w], f, 0)),
                pl.BlockSpec(
                    (1, BF, D_MODEL),
                    lambda f, w, se, st, rs, re: (se[0, w], N_F + f, 0)),
                pl.BlockSpec(
                    (1, D_MODEL, BF),
                    lambda f, w, se, st, rs, re: (se[0, w], 0, f)),
            ],
            out_specs=pl.BlockSpec(
                (M, D_MODEL), lambda f, w, se, st, rs, re: (0, 0)),
        ),
        out_shape=jax.ShapeDtypeStruct((M, D_MODEL), jnp.float32),
        compiler_params=pltpu.CompilerParams(
            dimension_semantics=("arbitrary", "arbitrary"),
        ),
    )(wexp, wtile, wrs, wre, xs, ws, ws, w2s)

    out = pl.pallas_call(
        _combine_kernel,
        grid=(T // 512,),
        in_specs=[
            pl.BlockSpec((512, TOP_K), lambda t: (t, 0)),
            pl.BlockSpec((512, TOP_K), lambda t: (t, 0)),
            pl.BlockSpec((M, D_MODEL), lambda t: (0, 0)),
        ],
        out_specs=pl.BlockSpec((512, D_MODEL), lambda t: (t, 0)),
        out_shape=jax.ShapeDtypeStruct((T, D_MODEL), jnp.float32),
        compiler_params=pltpu.CompilerParams(
            dimension_semantics=("arbitrary",),
        ),
    )(pos, wts, ys)

    return out.reshape(hidden_states.shape)

# --- scband reference (transcript-rebuilt; emitter-appended) ---
"""Pipeline reference for scband-dbrx-experts-64501818851514 (READ-ONLY COPY).

The authoritative reference and input builder live on the scoring server;
editing this copy changes nothing except your own understanding.
"""

import jax, jax.numpy as jnp
import numpy as np

D_MODEL = 1024
N_EXPERTS = 8
TOP_K = 2
FFN = 4096  # intermediate_size (tp_size = 1)
T = 2048    # num tokens = batch 1 * seq_len 2048


def setup_inputs(seed: int = 0) -> dict:
    key = jax.random.key(seed)
    k1, k2, k3, k4 = jax.random.split(key, 4)
    hidden_states = jax.random.normal(k1, (T, D_MODEL), dtype=jnp.float32)
    # router: ReplicatedLinear(d_model, num_experts, bias=False) -> weight [E, d_model]
    router_weight = jax.random.normal(k2, (N_EXPERTS, D_MODEL), dtype=jnp.float32) * 0.02
    # ws: [E, 2*intermediate, d_model] (w1 gate | v1 up, concatenated on dim 1)
    ws = jax.random.normal(k3, (N_EXPERTS, 2 * FFN, D_MODEL), dtype=jnp.float32) * 0.02
    # w2s: [E, d_model, intermediate]
    w2s = jax.random.normal(k4, (N_EXPERTS, D_MODEL, FFN), dtype=jnp.float32) * 0.02
    return {"hidden_states": hidden_states, "router_weight": router_weight, "ws": ws, "w2s": w2s}


def _silu(x):
    return x * jax.nn.sigmoid(x)


def _dbrx_experts(hidden_states, router_weight, ws, w2s):
    num_tokens, hidden_size = hidden_states.shape
    x = hidden_states.reshape(-1, D_MODEL)
    # DbrxRouter: logits for each expert per token
    router_logits = x @ router_weight.T  # [T, E]
    # fused_moe(..., renormalize=True): softmax over all experts, take top-k, renormalize
    routing_weights = jax.nn.softmax(router_logits.astype(jnp.float32), axis=-1)
    topk_weights, topk_ids = jax.lax.top_k(routing_weights, TOP_K)  # [T, k]
    topk_weights = topk_weights / jnp.sum(topk_weights, axis=-1, keepdims=True)
    # combine weights per expert: [T, E] (zero for experts not in top-k)
    combine = jnp.sum(jax.nn.one_hot(topk_ids, N_EXPERTS, dtype=x.dtype) * topk_weights[..., None], axis=1)
    final = jnp.zeros_like(x)
    for e in range(N_EXPERTS):
        h = x @ ws[e].T                     # [T, 2*FFN]
        gate, up = h[:, :FFN], h[:, FFN:]
        act = _silu(gate) * up              # silu_and_mul
        out_e = act @ w2s[e].T              # [T, d_model]
        final = final + combine[:, e:e + 1] * out_e
    return final.reshape(num_tokens, hidden_size)


def reference(hidden_states, router_weight, ws, w2s):
    return _dbrx_experts(hidden_states, router_weight, ws, w2s)

if __name__ == "__main__":
    import jax
    _d = setup_inputs()
    print(jax.jit(kernel)(*tuple(_d.values())))

</pallas_src>

<mosaic_0001>
#map = affine_map<(d0, d1) -> (0, 0)>
module attributes {stable_mosaic.version = 14 : i64} {
  func.func @_sc_scatter(%arg0: i32, %arg1: i32, %arg2: memref<2048x1024xf32, #tpu.memory_space<hbm>>, %arg3: memref<32x64xi32, #tpu.memory_space<hbm>>, %arg4: memref<32x64xi32, #tpu.memory_space<hbm>>, %arg5: memref<4096x1024xf32, #tpu.memory_space<hbm>>, %arg6: memref<64xi32, #tpu.memory_space<vmem>>, %arg7: memref<64xi32, #tpu.memory_space<vmem>>, %arg8: memref<64x1024xf32, #tpu.memory_space<vmem>>, %arg9: memref<!tpu.dma_semaphore, #tpu.memory_space<semaphore_mem>>) attributes {dimension_semantics = [#tpu.dimension_semantics<core_parallel>, #tpu.dimension_semantics<subcore_parallel>], iteration_bounds = array<i64: 2, 16>, scalar_prefetch = 0 : i64, scratch_operands = 4 : i64, tpu.core_type = #tpu.core_type<sc_vector_subcore>, window_params = [{transform_indices = #map}, {transform_indices = #map}, {transform_indices = #map}, {transform_indices = #map}]} {
    %mul3A = arith.constant 2 : i32
    %mul3A_0 = arith.muli %arg1, %mul3A : i32
    %add3A = arith.addi %mul3A_0, %arg0 : i32
    %mul3A_1 = arith.constant 64 : i32
    %mul3A_2 = arith.muli %add3A, %mul3A_1 : i32
    "tpu.region"() ({
      %run_scoped3A = tpu.sem_alloc : memref<!tpu.dma_semaphore, #tpu.memory_space<semaphore_mem>>
      %dma_start3A_13 = arith.constant 0 : i32
      %dma_start3A_14 = tpu.memref_slice %arg3[%add3A, %dma_start3A_13] : memref<32x64xi32, #tpu.memory_space<hbm>> -> memref<1x64xi32, #tpu.memory_space<hbm>>
      %dma_start3A_15 = tpu.memref_squeeze %dma_start3A_14 : memref<1x64xi32, #tpu.memory_space<hbm>> -> memref<64xi32, #tpu.memory_space<hbm>>
      %dma_start3A_16 = arith.constant 0 : i32
      %dma_start3A_17 = tpu.memref_slice %arg3[%add3A, %dma_start3A_16] : memref<32x64xi32, #tpu.memory_space<hbm>> -> memref<1x64xi32, #tpu.memory_space<hbm>>
      %dma_start3A_18 = tpu.memref_squeeze %dma_start3A_17 : memref<1x64xi32, #tpu.memory_space<hbm>> -> memref<64xi32, #tpu.memory_space<hbm>>
      tpu.enqueue_dma source(%dma_start3A_18 : memref<64xi32, #tpu.memory_space<hbm>>) target(%arg6 : memref<64xi32, #tpu.memory_space<vmem>>) target_semaphore(%run_scoped3A : memref<!tpu.dma_semaphore, #tpu.memory_space<semaphore_mem>>)
      %dma_wait3A_19 = arith.constant 0 : i32
      %dma_wait3A_20 = tpu.memref_slice %arg3[%add3A, %dma_wait3A_19] : memref<32x64xi32, #tpu.memory_space<hbm>> -> memref<1x64xi32, #tpu.memory_space<hbm>>
      %dma_wait3A_21 = tpu.memref_squeeze %dma_wait3A_20 : memref<1x64xi32, #tpu.memory_space<hbm>> -> memref<64xi32, #tpu.memory_space<hbm>>
      %dma_wait3A_22 = arith.constant 0 : i32
      %dma_wait3A_23 = tpu.memref_slice %arg3[%add3A, %dma_wait3A_22] : memref<32x64xi32, #tpu.memory_space<hbm>> -> memref<1x64xi32, #tpu.memory_space<hbm>>
      %dma_wait3A_24 = tpu.memref_squeeze %dma_wait3A_23 : memref<1x64xi32, #tpu.memory_space<hbm>> -> memref<64xi32, #tpu.memory_space<hbm>>
      tpu.wait_dma2 semaphore(%run_scoped3A : memref<!tpu.dma_semaphore, #tpu.memory_space<semaphore_mem>>) src(%dma_wait3A_24 : memref<64xi32, #tpu.memory_space<hbm>>) dst(%arg6 : memref<64xi32, #tpu.memory_space<vmem>>)
      tpu.yield
    }) : () -> ()
    "tpu.region"() ({
      %run_scoped3A = tpu.sem_alloc : memref<!tpu.dma_semaphore, #tpu.memory_space<semaphore_mem>>
      %dma_start3A_13 = arith.constant 0 : i32
      %dma_start3A_14 = tpu.memref_slice %arg4[%add3A, %dma_start3A_13] : memref<32x64xi32, #tpu.memory_space<hbm>> -> memref<1x64xi32, #tpu.memory_space<hbm>>
      %dma_start3A_15 = tpu.memref_squeeze %dma_start3A_14 : memref<1x64xi32, #tpu.memory_space<hbm>> -> memref<64xi32, #tpu.memory_space<hbm>>
      %dma_start3A_16 = arith.constant 0 : i32
      %dma_start3A_17 = tpu.memref_slice %arg4[%add3A, %dma_start3A_16] : memref<32x64xi32, #tpu.memory_space<hbm>> -> memref<1x64xi32, #tpu.memory_space<hbm>>
      %dma_start3A_18 = tpu.memref_squeeze %dma_start3A_17 : memref<1x64xi32, #tpu.memory_space<hbm>> -> memref<64xi32, #tpu.memory_space<hbm>>
      tpu.enqueue_dma source(%dma_start3A_18 : memref<64xi32, #tpu.memory_space<hbm>>) target(%arg7 : memref<64xi32, #tpu.memory_space<vmem>>) target_semaphore(%run_scoped3A : memref<!tpu.dma_semaphore, #tpu.memory_space<semaphore_mem>>)
      %dma_wait3A_19 = arith.constant 0 : i32
      %dma_wait3A_20 = tpu.memref_slice %arg4[%add3A, %dma_wait3A_19] : memref<32x64xi32, #tpu.memory_space<hbm>> -> memref<1x64xi32, #tpu.memory_space<hbm>>
      %dma_wait3A_21 = tpu.memref_squeeze %dma_wait3A_20 : memref<1x64xi32, #tpu.memory_space<hbm>> -> memref<64xi32, #tpu.memory_space<hbm>>
      %dma_wait3A_22 = arith.constant 0 : i32
      %dma_wait3A_23 = tpu.memref_slice %arg4[%add3A, %dma_wait3A_22] : memref<32x64xi32, #tpu.memory_space<hbm>> -> memref<1x64xi32, #tpu.memory_space<hbm>>
      %dma_wait3A_24 = tpu.memref_squeeze %dma_wait3A_23 : memref<1x64xi32, #tpu.memory_space<hbm>> -> memref<64xi32, #tpu.memory_space<hbm>>
      tpu.wait_dma2 semaphore(%run_scoped3A : memref<!tpu.dma_semaphore, #tpu.memory_space<semaphore_mem>>) src(%dma_wait3A_24 : memref<64xi32, #tpu.memory_space<hbm>>) dst(%arg7 : memref<64xi32, #tpu.memory_space<vmem>>)
      tpu.yield
    }) : () -> ()
    "tpu.region"() ({
      %run_scoped3A = tpu.sem_alloc : memref<!tpu.dma_semaphore, #tpu.memory_space<semaphore_mem>>
      %dma_start3A_13 = arith.constant 0 : i32
      %dma_start3A_14 = tpu.memref_slice %arg2[%mul3A_2, %dma_start3A_13] : memref<2048x1024xf32, #tpu.memory_space<hbm>> -> memref<64x1024xf32, #tpu.memory_space<hbm>>
      %dma_start3A_15 = arith.constant 0 : i32
      %dma_start3A_16 = tpu.memref_slice %arg2[%mul3A_2, %dma_start3A_15] : memref<2048x1024xf32, #tpu.memory_space<hbm>> -> memref<64x1024xf32, #tpu.memory_space<hbm>>
      tpu.enqueue_dma source(%dma_start3A_16 : memref<64x1024xf32, #tpu.memory_space<hbm>>) target(%arg8 : memref<64x1024xf32, #tpu.memory_space<vmem>>) target_semaphore(%run_scoped3A : memref<!tpu.dma_semaphore, #tpu.memory_space<semaphore_mem>>)
      %dma_wait3A_17 = arith.constant 0 : i32
      %dma_wait3A_18 = tpu.memref_slice %arg2[%mul3A_2, %dma_wait3A_17] : memref<2048x1024xf32, #tpu.memory_space<hbm>> -> memref<64x1024xf32, #tpu.memory_space<hbm>>
      %dma_wait3A_19 = arith.constant 0 : i32
      %dma_wait3A_20 = tpu.memref_slice %arg2[%mul3A_2, %dma_wait3A_19] : memref<2048x1024xf32, #tpu.memory_space<hbm>> -> memref<64x1024xf32, #tpu.memory_space<hbm>>
      tpu.wait_dma2 semaphore(%run_scoped3A : memref<!tpu.dma_semaphore, #tpu.memory_space<semaphore_mem>>) src(%dma_wait3A_20 : memref<64x1024xf32, #tpu.memory_space<hbm>>) dst(%arg8 : memref<64x1024xf32, #tpu.memory_space<vmem>>)
      tpu.yield
    }) : () -> ()
    %dma_start3A = arith.constant 0 : i32
    %dma_start3A_3 = arith.constant 0 : i32
    %dma_start3A_4 = tpu.memref_slice %arg5[%dma_start3A, %dma_start3A_3] : memref<4096x1024xf32, #tpu.memory_space<hbm>> -> memref<4096x1024xf32, #tpu.memory_space<hbm>>
    tpu.enqueue_indirect_dma source(%arg8 : memref<64x1024xf32, #tpu.memory_space<vmem>>) target(%dma_start3A_4 : memref<4096x1024xf32, #tpu.memory_space<hbm>>) offsets(%arg6 : memref<64xi32, #tpu.memory_space<vmem>>) semaphore(%arg9 : memref<!tpu.dma_semaphore, #tpu.memory_space<semaphore_mem>>)
    %dma_wait3A = arith.constant 0 : i32
    %dma_wait3A_5 = arith.constant 0 : i32
    %dma_wait3A_6 = tpu.memref_slice %arg5[%dma_wait3A, %dma_wait3A_5] : memref<4096x1024xf32, #tpu.memory_space<hbm>> -> memref<4096x1024xf32, #tpu.memory_space<hbm>>
    tpu.wait_indirect_dma semaphore(%arg9 : memref<!tpu.dma_semaphore, #tpu.memory_space<semaphore_mem>>) src(%arg8 : memref<64x1024xf32, #tpu.memory_space<vmem>>) dst(%dma_wait3A_6 : memref<4096x1024xf32, #tpu.memory_space<hbm>>)
    %dma_start3A_7 = arith.constant 0 : i32
    %dma_start3A_8 = arith.constant 0 : i32
    %dma_start3A_9 = tpu.memref_slice %arg5[%dma_start3A_7, %dma_start3A_8] : memref<4096x1024xf32, #tpu.memory_space<hbm>> -> memref<4096x1024xf32, #tpu.memory_space<hbm>>
    tpu.enqueue_indirect_dma source(%arg8 : memref<64x1024xf32, #tpu.memory_space<vmem>>) target(%dma_start3A_9 : memref<4096x1024xf32, #tpu.memory_space<hbm>>) offsets(%arg7 : memref<64xi32, #tpu.memory_space<vmem>>) semaphore(%arg9 : memref<!tpu.dma_semaphore, #tpu.memory_space<semaphore_mem>>)
    %dma_wait3A_10 = arith.constant 0 : i32
    %dma_wait3A_11 = arith.constant 0 : i32
    %dma_wait3A_12 = tpu.memref_slice %arg5[%dma_wait3A_10, %dma_wait3A_11] : memref<4096x1024xf32, #tpu.memory_space<hbm>> -> memref<4096x1024xf32, #tpu.memory_space<hbm>>
    tpu.wait_indirect_dma semaphore(%arg9 : memref<!tpu.dma_semaphore, #tpu.memory_space<semaphore_mem>>) src(%arg8 : memref<64x1024xf32, #tpu.memory_space<vmem>>) dst(%dma_wait3A_12 : memref<4096x1024xf32, #tpu.memory_space<hbm>>)
    return
  }
}

module attributes {stable_mosaic.version = 14 : i64} {
  func.func @_group_mm_kernel(%arg0: i32, %arg1: i32, %arg2: memref<1x15xi32, #tpu.memory_space<smem>>, %arg3: memref<1x15xi32, #tpu.memory_space<smem>>, %arg4: memref<1x15xi32, #tpu.memory_space<smem>>, %arg5: memref<1x15xi32, #tpu.memory_space<smem>>, %arg6: memref<4096x1024xf32, #tpu.memory_space<vmem>>, %arg7: memref<1x512x1024xf32, #tpu.memory_space<vmem>>, %arg8: memref<1x512x1024xf32, #tpu.memory_space<vmem>>, %arg9: memref<1x1024x512xf32, #tpu.memory_space<vmem>>, %arg10: memref<4096x1024xf32, #tpu.memory_space<vmem>>) attributes {dimension_semantics = [#tpu.dimension_semantics<arbitrary>, #tpu.dimension_semantics<arbitrary>], iteration_bounds = array<i64: 8, 15>, scalar_prefetch = 4 : i64, scratch_operands = 0 : i64, tpu.core_type = #tpu.core_type<tc>, window_params = [{pipeline_mode = #tpu.pipeline_mode<synchronous>, transform_indices = @transform_0, window_bounds = array<i64: 4096, 1024>}, {transform_indices = @transform_1, window_bounds = array<i64: 1, 512, 1024>}, {transform_indices = @transform_2, window_bounds = array<i64: 1, 512, 1024>}, {transform_indices = @transform_3, window_bounds = array<i64: 1, 1024, 512>}, {pipeline_mode = #tpu.pipeline_mode<synchronous>, transform_indices = @transform_4, window_bounds = array<i64: 4096, 1024>}]} {
    %eq3A = arith.constant 0 : i32
    %eq3A_0 = arith.cmpi eq, %arg0, %eq3A : i32
    %eq3A_1 = arith.constant 0 : i32
    %eq3A_2 = arith.cmpi eq, %arg1, %eq3A_1 : i32
    %and3A = arith.andi %eq3A_0, %eq3A_2 : i1
    %convert_element_type3A = arith.extui %and3A : i1 to i32
    %cond3A = arith.constant 0 : i32
    %cond3A_3 = arith.cmpi ne, %convert_element_type3A, %cond3A : i32
    scf.if %cond3A_3 {
      %broadcast_in_dim3A = arith.constant 0.000000e+00 : f32
      %broadcast_in_dim3A_15 = vector.broadcast %broadcast_in_dim3A : f32 to vector<4096x1024xf32>
      %swap3A = arith.constant 0 : index
      %swap3A_16 = arith.constant 0 : index
      %swap3A_17 = vector.load %arg10[%swap3A, %swap3A_16] : memref<4096x1024xf32, #tpu.memory_space<vmem>>, vector<4096x1024xf32>
      tpu.vector_store %arg10[%swap3A, %swap3A_16], %broadcast_in_dim3A_15 {strides = array<i32>} : memref<4096x1024xf32, #tpu.memory_space<vmem>>, vector<4096x1024xf32>,
    } else {
    }
    %get3A = arith.constant 0 : index
    %get3A_4 = arith.index_cast %arg1 : i32 to index
    %get3A_5 = memref.load %arg4[%get3A, %get3A_4] : memref<1x15xi32, #tpu.memory_space<smem>>
    %get3A_6 = arith.constant 0 : index
    %get3A_7 = arith.index_cast %arg1 : i32 to index
    %get3A_8 = memref.load %arg5[%get3A_6, %get3A_7] : memref<1x15xi32, #tpu.memory_space<smem>>
    %get3A_9 = arith.constant 0 : index
    %get3A_10 = arith.index_cast %arg1 : i32 to index
    %get3A_11 = memref.load %arg3[%get3A_9, %get3A_10] : memref<1x15xi32, #tpu.memory_space<smem>>
    %gt3A = arith.cmpi sgt, %get3A_8, %get3A_5 : i32
    %convert_element_type3A_12 = arith.extui %gt3A : i1 to i32
    %cond3A_13 = arith.constant 0 : i32
    %cond3A_14 = arith.cmpi ne, %convert_element_type3A_12, %cond3A_13 : i32
    scf.if %cond3A_14 {
      %mul3A = arith.constant 512 : i32
      %mul3A_15 = arith.muli %get3A_11, %mul3A : i32
      %get3A_16 = arith.index_cast %mul3A_15 : i32 to index
      %get3A_17 = arith.constant 0 : index
      %get3A_18 = vector.load %arg6[%get3A_16, %get3A_17] : memref<4096x1024xf32, #tpu.memory_space<vmem>>, vector<512x1024xf32>
      %get3A_19 = arith.constant 0 : index
      %get3A_20 = arith.constant 0 : index
      %get3A_21 = arith.constant 0 : index
      %get3A_22 = vector.load %arg7[%get3A_19, %get3A_20, %get3A_21] : memref<1x512x1024xf32, #tpu.memory_space<vmem>>, vector<1x512x1024xf32>
      %get3A_23 = vector.shape_cast %get3A_22 : vector<1x512x1024xf32> to vector<512x1024xf32>
      %dot_general3A = arith.constant dense<0.000000e+00> : vector<512x512xf32>
      %dot_general3A_24 = tpu.matmul %get3A_18, %get3A_23, %dot_general3A {dimension_numbers = #tpu.dot_dimension_numbers<[1], [1], [0], [0], [0, 0, 1, 0], [], []>, transpose_lhs_hint = false} : vector<512x1024xf32>, vector<512x1024xf32>, vector<512x512xf32> -> vector<512x512xf32>
      %get3A_25 = arith.constant 0 : index
      %get3A_26 = arith.constant 0 : index
      %get3A_27 = arith.constant 0 : index
      %get3A_28 = vector.load %arg8[%get3A_25, %get3A_26, %get3A_27] : memref<1x512x1024xf32, #tpu.memory_space<vmem>>, vector<1x512x1024xf32>
      %get3A_29 = vector.shape_cast %get3A_28 : vector<1x512x1024xf32> to vector<512x1024xf32>
      %dot_general3A_30 = arith.constant dense<0.000000e+00> : vector<512x512xf32>
      %dot_general3A_31 = tpu.matmul %get3A_18, %get3A_29, %dot_general3A_30 {dimension_numbers = #tpu.dot_dimension_numbers<[1], [1], [0], [0], [0, 0, 1, 0], [], []>, transpose_lhs_hint = false} : vector<512x1024xf32>, vector<512x1024xf32>, vector<512x512xf32> -> vector<512x512xf32>
      %logistic3A = arith.negf %dot_general3A_24 : vector<512x512xf32>
      %logistic3A_32 = math.exp %logistic3A : vector<512x512xf32>
      %logistic3A_33 = arith.constant 1.000000e+00 : f32
      %logistic3A_34 = vector.broadcast %logistic3A_33 : f32 to vector<512x512xf32>
      %logistic3A_35 = arith.addf %logistic3A_34, %logistic3A_32 : vector<512x512xf32>
      %logistic3A_36 = arith.divf %logistic3A_34, %logistic3A_35 : vector<512x512xf32>
      %mul3A_37 = arith.mulf %dot_general3A_24, %logistic3A_36 : vector<512x512xf32>
      %mul3A_38 = arith.mulf %mul3A_37, %dot_general3A_31 : vector<512x512xf32>
      %mul3A_39 = arith.constant 512 : i32
      %mul3A_40 = arith.muli %get3A_11, %mul3A_39 : i32
      %iota3A = tpu.iota {dimensions = array<i32: 0>} : vector<512x1xi32>
      %add3A = vector.broadcast %mul3A_40 : i32 to vector<512x1xi32>
      %add3A_41 = arith.addi %add3A, %iota3A : vector<512x1xi32>
      %ge3A = vector.broadcast %get3A_5 : i32 to vector<512x1xi32>
      %ge3A_42 = arith.cmpi sge, %add3A_41, %ge3A : vector<512x1xi32>
      %lt3A = vector.broadcast %get3A_8 : i32 to vector<512x1xi32>
      %lt3A_43 = arith.cmpi slt, %add3A_41, %lt3A : vector<512x1xi32>
      %and3A_44 = arith.andi %ge3A_42, %lt3A_43 : vector<512x1xi1>
      %jit3A = arith.constant 0.000000e+00 : f32
      %broadcast_in_dim3A = vector.shape_cast %and3A_44 : vector<512x1xi1> to vector<512x1xi1>
      %broadcast_in_dim3A_45 = vector.broadcast %broadcast_in_dim3A : vector<512x1xi1> to vector<512x512xi1>
      %broadcast_in_dim3A_46 = vector.broadcast %jit3A : f32 to vector<512x512xf32>
      %select_n3A = arith.select %broadcast_in_dim3A_45, %mul3A_38, %broadcast_in_dim3A_46 : vector<512x512xi1>, vector<512x512xf32>
      %mul3A_47 = arith.constant 512 : i32
      %mul3A_48 = arith.muli %get3A_11, %mul3A_47 : i32
      %get3A_49 = arith.index_cast %mul3A_48 : i32 to index
      %get3A_50 = arith.constant 0 : index
      %get3A_51 = vector.load %arg10[%get3A_49, %get3A_50] : memref<4096x1024xf32, #tpu.memory_space<vmem>>, vector<512x1024xf32>
      %get3A_52 = arith.constant 0 : index
      %get3A_53 = arith.constant 0 : index
      %get3A_54 = arith.constant 0 : index
      %get3A_55 = vector.load %arg9[%get3A_52, %get3A_53, %get3A_54] : memref<1x1024x512xf32, #tpu.memory_space<vmem>>, vector<1x1024x512xf32>
      %get3A_56 = vector.shape_cast %get3A_55 : vector<1x1024x512xf32> to vector<1024x512xf32>
      %dot_general3A_57 = arith.constant dense<0.000000e+00> : vector<512x1024xf32>
      %dot_general3A_58 = tpu.matmul %select_n3A, %get3A_56, %dot_general3A_57 {dimension_numbers = #tpu.dot_dimension_numbers<[1], [1], [0], [0], [0, 0, 1, 0], [], []>, transpose_lhs_hint = false} : vector<512x512xf32>, vector<1024x512xf32>, vector<512x1024xf32> -> vector<512x1024xf32>
      %add3A_59 = arith.addf %get3A_51, %dot_general3A_58 : vector<512x1024xf32>
      %swap3A = arith.index_cast %mul3A_48 : i32 to index
      %swap3A_60 = arith.constant 0 : index
      %swap3A_61 = vector.load %arg10[%swap3A, %swap3A_60] : memref<4096x1024xf32, #tpu.memory_space<vmem>>, vector<512x1024xf32>
      tpu.vector_store %arg10[%swap3A, %swap3A_60], %add3A_59 {strides = array<i32>} : memref<4096x1024xf32, #tpu.memory_space<vmem>>, vector<512x1024xf32>,
    } else {
    }
    return
  }
  func.func @transform_0(%arg0: i32, %arg1: i32, %arg2: memref<1x15xi32, #tpu.memory_space<smem>>, %arg3: memref<1x15xi32, #tpu.memory_space<smem>>, %arg4: memref<1x15xi32, #tpu.memory_space<smem>>, %arg5: memref<1x15xi32, #tpu.memory_space<smem>>) -> (i32, i32) {
    %c0_i32 = arith.constant 0 : i32
    %c0_i32_0 = arith.constant 0 : i32
    %c0_i32_1 = arith.constant 0 : i32
    return %c0_i32, %c0_i32_0 : i32, i32
  }
  func.func @transform_1(%arg0: i32, %arg1: i32, %arg2: memref<1x15xi32, #tpu.memory_space<smem>>, %arg3: memref<1x15xi32, #tpu.memory_space<smem>>, %arg4: memref<1x15xi32, #tpu.memory_space<smem>>, %arg5: memref<1x15xi32, #tpu.memory_space<smem>>) -> (i32, i32, i32) {
    %get3A = arith.constant 0 : index
    %get3A_0 = arith.index_cast %arg1 : i32 to index
    %get3A_1 = memref.load %arg2[%get3A, %get3A_0] : memref<1x15xi32, #tpu.memory_space<smem>>
    %c0_i32 = arith.constant 0 : i32
    %c0_i32_2 = arith.constant 0 : i32
    return %get3A_1, %arg0, %c0_i32 : i32, i32, i32
  }
  func.func @transform_2(%arg0: i32, %arg1: i32, %arg2: memref<1x15xi32, #tpu.memory_space<smem>>, %arg3: memref<1x15xi32, #tpu.memory_space<smem>>, %arg4: memref<1x15xi32, #tpu.memory_space<smem>>, %arg5: memref<1x15xi32, #tpu.memory_space<smem>>) -> (i32, i32, i32) {
    %get3A = arith.constant 0 : index
    %get3A_0 = arith.index_cast %arg1 : i32 to index
    %get3A_1 = memref.load %arg2[%get3A, %get3A_0] : memref<1x15xi32, #tpu.memory_space<smem>>
    %add3A = arith.constant 8 : i32
    %add3A_2 = arith.addi %add3A, %arg0 : i32
    %c0_i32 = arith.constant 0 : i32
    %c0_i32_3 = arith.constant 0 : i32
    return %get3A_1, %add3A_2, %c0_i32 : i32, i32, i32
  }
  func.func @transform_3(%arg0: i32, %arg1: i32, %arg2: memref<1x15xi32, #tpu.memory_space<smem>>, %arg3: memref<1x15xi32, #tpu.memory_space<smem>>, %arg4: memref<1x15xi32, #tpu.memory_space<smem>>, %arg5: memref<1x15xi32, #tpu.memory_space<smem>>) -> (i32, i32, i32) {
    %get3A = arith.constant 0 : index
    %get3A_0 = arith.index_cast %arg1 : i32 to index
    %get3A_1 = memref.load %arg2[%get3A, %get3A_0] : memref<1x15xi32, #tpu.memory_space<smem>>
    %c0_i32 = arith.constant 0 : i32
    %c0_i32_2 = arith.constant 0 : i32
    return %get3A_1, %c0_i32, %arg0 : i32, i32, i32
  }
  func.func @transform_4(%arg0: i32, %arg1: i32, %arg2: memref<1x15xi32, #tpu.memory_space<smem>>, %arg3: memref<1x15xi32, #tpu.memory_space<smem>>, %arg4: memref<1x15xi32, #tpu.memory_space<smem>>, %arg5: memref<1x15xi32, #tpu.memory_space<smem>>) -> (i32, i32) {
    %c0_i32 = arith.constant 0 : i32
    %c0_i32_0 = arith.constant 0 : i32
    %c0_i32_1 = arith.constant 0 : i32
    return %c0_i32, %c0_i32_0 : i32, i32
  }
}

module attributes {stable_mosaic.version = 14 : i64} {
  func.func @_plan_kernel(%arg0: memref<2048x1024xf32, #tpu.memory_space<vmem>>, %arg1: memref<8x1024xf32, #tpu.memory_space<vmem>>, %arg2: memref<2048x2xi32, #tpu.memory_space<vmem>>, %arg3: memref<2048x2xf32, #tpu.memory_space<vmem>>, %arg4: memref<1x15xi32, #tpu.memory_space<vmem>>, %arg5: memref<1x15xi32, #tpu.memory_space<vmem>>, %arg6: memref<1x15xi32, #tpu.memory_space<vmem>>, %arg7: memref<1x15xi32, #tpu.memory_space<vmem>>) attributes {dimension_semantics = [], scalar_prefetch = 0 : i64, scratch_operands = 0 : i64, tpu.core_type = #tpu.core_type<tc>} {
    %get3A = arith.constant 0 : index
    %get3A_0 = arith.constant 0 : index
    %get3A_1 = vector.load %arg0[%get3A, %get3A_0] : memref<2048x1024xf32, #tpu.memory_space<vmem>>, vector<2048x1024xf32>
    %get3A_2 = arith.constant 0 : index
    %get3A_3 = arith.constant 0 : index
    %get3A_4 = vector.load %arg1[%get3A_2, %get3A_3] : memref<8x1024xf32, #tpu.memory_space<vmem>>, vector<8x1024xf32>
    %dot_general3A = arith.constant dense<0.000000e+00> : vector<2048x8xf32>
    %dot_general3A_5 = tpu.matmul %get3A_1, %get3A_4, %dot_general3A {dimension_numbers = #tpu.dot_dimension_numbers<[1], [1], [0], [0], [0, 0, 1, 0], [], []>, transpose_lhs_hint = false} : vector<2048x1024xf32>, vector<8x1024xf32>, vector<2048x8xf32> -> vector<2048x8xf32>
    %reduce_max3A = arith.constant dense<0xFF800000> : vector<2048xf32>
    %reduce_max3A_6 = vector.multi_reduction <maximumf>, %dot_general3A_5, %reduce_max3A [1] : vector<2048x8xf32> to vector<2048xf32>
    %broadcast_in_dim3A = vector.shape_cast %reduce_max3A_6 : vector<2048xf32> to vector<2048x1xf32>
    %sub3A = vector.broadcast %broadcast_in_dim3A : vector<2048x1xf32> to vector<2048x8xf32>
    %sub3A_7 = arith.subf %dot_general3A_5, %sub3A : vector<2048x8xf32>
    %exp3A = math.exp %sub3A_7 : vector<2048x8xf32>
    %reduce_sum3A = arith.constant dense<0.000000e+00> : vector<2048xf32>
    %reduce_sum3A_8 = vector.multi_reduction <add>, %exp3A, %reduce_sum3A [1] : vector<2048x8xf32> to vector<2048xf32>
    %broadcast_in_dim3A_9 = vector.shape_cast %reduce_sum3A_8 : vector<2048xf32> to vector<2048x1xf32>
    %div3A = vector.broadcast %broadcast_in_dim3A_9 : vector<2048x1xf32> to vector<2048x8xf32>
    %div3A_10 = arith.divf %exp3A, %div3A : vector<2048x8xf32>
    %iota3A = tpu.iota {dimensions = array<i32: 1>} : vector<2048x8xi32>
    %reduce_max3A_11 = arith.constant dense<0xFF800000> : vector<2048xf32>
    %reduce_max3A_12 = vector.multi_reduction <maximumf>, %div3A_10, %reduce_max3A_11 [1] : vector<2048x8xf32> to vector<2048xf32>
    %broadcast_in_dim3A_13 = vector.shape_cast %reduce_max3A_12 : vector<2048xf32> to vector<2048x1xf32>
    %eq3A = vector.broadcast %broadcast_in_dim3A_13 : vector<2048x1xf32> to vector<2048x8xf32>
    %eq3A_14 = arith.cmpf oeq, %div3A_10, %eq3A : vector<2048x8xf32>
    %jit3A = arith.constant 9 : i32
    %broadcast_in_dim3A_15 = vector.broadcast %jit3A : i32 to vector<2048x8xi32>
    %select_n3A = arith.select %eq3A_14, %iota3A, %broadcast_in_dim3A_15 : vector<2048x8xi1>, vector<2048x8xi32>
    %reduce_min3A = arith.constant dense<2147483647> : vector<2048xi32>
    %reduce_min3A_16 = vector.multi_reduction <minsi>, %select_n3A, %reduce_min3A [1] : vector<2048x8xi32> to vector<2048xi32>
    %broadcast_in_dim3A_17 = vector.shape_cast %reduce_min3A_16 : vector<2048xi32> to vector<2048x1xi32>
    %eq3A_18 = vector.broadcast %broadcast_in_dim3A_17 : vector<2048x1xi32> to vector<2048x8xi32>
    %eq3A_19 = arith.cmpi eq, %iota3A, %eq3A_18 : vector<2048x8xi32>
    %jit3A_20 = arith.constant -1.000000e+00 : f32
    %broadcast_in_dim3A_21 = vector.broadcast %jit3A_20 : f32 to vector<2048x8xf32>
    %select_n3A_22 = arith.select %eq3A_19, %broadcast_in_dim3A_21, %div3A_10 : vector<2048x8xi1>, vector<2048x8xf32>
    %reduce_max3A_23 = arith.constant dense<0xFF800000> : vector<2048xf32>
    %reduce_max3A_24 = vector.multi_reduction <maximumf>, %select_n3A_22, %reduce_max3A_23 [1] : vector<2048x8xf32> to vector<2048xf32>
    %broadcast_in_dim3A_25 = vector.shape_cast %reduce_max3A_24 : vector<2048xf32> to vector<2048x1xf32>
    %eq3A_26 = vector.broadcast %broadcast_in_dim3A_25 : vector<2048x1xf32> to vector<2048x8xf32>
    %eq3A_27 = arith.cmpf oeq, %select_n3A_22, %eq3A_26 : vector<2048x8xf32>
    %jit3A_28 = arith.constant 9 : i32
    %broadcast_in_dim3A_29 = vector.broadcast %jit3A_28 : i32 to vector<2048x8xi32>
    %select_n3A_30 = arith.select %eq3A_27, %iota3A, %broadcast_in_dim3A_29 : vector<2048x8xi1>, vector<2048x8xi32>
    %reduce_min3A_31 = arith.constant dense<2147483647> : vector<2048xi32>
    %reduce_min3A_32 = vector.multi_reduction <minsi>, %select_n3A_30, %reduce_min3A_31 [1] : vector<2048x8xi32> to vector<2048xi32>
    %broadcast_in_dim3A_33 = vector.shape_cast %reduce_min3A_32 : vector<2048xi32> to vector<2048x1xi32>
    %eq3A_34 = vector.broadcast %broadcast_in_dim3A_33 : vector<2048x1xi32> to vector<2048x8xi32>
    %eq3A_35 = arith.cmpi eq, %iota3A, %eq3A_34 : vector<2048x8xi32>
    %add3A = arith.addf %broadcast_in_dim3A_13, %broadcast_in_dim3A_25 : vector<2048x1xf32>
    %div3A_36 = arith.divf %broadcast_in_dim3A_13, %add3A : vector<2048x1xf32>
    %div3A_37 = arith.divf %broadcast_in_dim3A_25, %add3A : vector<2048x1xf32>
    %convert_element_type3A = arith.extui %eq3A_19 : vector<2048x8xi1> to vector<2048x8xi32>
    %convert_element_type3A_38 = arith.sitofp %convert_element_type3A : vector<2048x8xi32> to vector<2048x8xf32>
    %convert_element_type3A_39 = arith.extui %eq3A_35 : vector<2048x8xi1> to vector<2048x8xi32>
    %convert_element_type3A_40 = arith.sitofp %convert_element_type3A_39 : vector<2048x8xi32> to vector<2048x8xf32>
    %add3A_41 = arith.addf %convert_element_type3A_38, %convert_element_type3A_40 : vector<2048x8xf32>
    %iota3A_42 = tpu.iota {dimensions = array<i32: 0>} : vector<512x512xi32>
    %iota3A_43 = tpu.iota {dimensions = array<i32: 1>} : vector<512x512xi32>
    %gt3A = arith.cmpi sgt, %iota3A_42, %iota3A_43 : vector<512x512xi32>
    %convert_element_type3A_44 = arith.extui %gt3A : vector<512x512xi1> to vector<512x512xi32>
    %convert_element_type3A_45 = arith.sitofp %convert_element_type3A_44 : vector<512x512xi32> to vector<512x512xf32>
    %broadcast_in_dim3A_46 = arith.constant 0.000000e+00 : f32
    %broadcast_in_dim3A_47 = vector.broadcast %broadcast_in_dim3A_46 : f32 to vector<1x8xf32>
    %slice3A = vector.extract_strided_slice %add3A_41 {offsets = [0, 0], sizes = [512, 8], strides = [1, 1]} : vector<2048x8xf32> to vector<512x8xf32>
    %dot_general3A_48 = arith.constant dense<0.000000e+00> : vector<512x8xf32>
    %dot_general3A_49 = tpu.matmul %convert_element_type3A_45, %slice3A, %dot_general3A_48 {dimension_numbers = #tpu.dot_dimension_numbers<[1], [0], [0], [1], [0, 0, 1, 1], [], []>, transpose_lhs_hint = false} : vector<512x512xf32>, vector<512x8xf32>, vector<512x8xf32> -> vector<512x8xf32>
    %add3A_50 = vector.broadcast %broadcast_in_dim3A_47 : vector<1x8xf32> to vector<512x8xf32>
    %add3A_51 = arith.addf %dot_general3A_49, %add3A_50 : vector<512x8xf32>
    %reduce_sum3A_52 = arith.constant dense<0.000000e+00> : vector<8xf32>
    %reduce_sum3A_53 = vector.multi_reduction <add>, %slice3A, %reduce_sum3A_52 [0] : vector<512x8xf32> to vector<8xf32>
    %broadcast_in_dim3A_54 = vector.shape_cast %reduce_sum3A_53 : vector<8xf32> to vector<1x8xf32>
    %add3A_55 = arith.addf %broadcast_in_dim3A_47, %broadcast_in_dim3A_54 : vector<1x8xf32>
    %slice3A_56 = vector.extract_strided_slice %add3A_41 {offsets = [512, 0], sizes = [512, 8], strides = [1, 1]} : vector<2048x8xf32> to vector<512x8xf32>
    %dot_general3A_57 = arith.constant dense<0.000000e+00> : vector<512x8xf32>
    %dot_general3A_58 = tpu.matmul %convert_element_type3A_45, %slice3A_56, %dot_general3A_57 {dimension_numbers = #tpu.dot_dimension_numbers<[1], [0], [0], [1], [0, 0, 1, 1], [], []>, transpose_lhs_hint = false} : vector<512x512xf32>, vector<512x8xf32>, vector<512x8xf32> -> vector<512x8xf32>
    %add3A_59 = vector.broadcast %add3A_55 : vector<1x8xf32> to vector<512x8xf32>
    %add3A_60 = arith.addf %dot_general3A_58, %add3A_59 : vector<512x8xf32>
    %reduce_sum3A_61 = arith.constant dense<0.000000e+00> : vector<8xf32>
    %reduce_sum3A_62 = vector.multi_reduction <add>, %slice3A_56, %reduce_sum3A_61 [0] : vector<512x8xf32> to vector<8xf32>
    %broadcast_in_dim3A_63 = vector.shape_cast %reduce_sum3A_62 : vector<8xf32> to vector<1x8xf32>
    %add3A_64 = arith.addf %add3A_55, %broadcast_in_dim3A_63 : vector<1x8xf32>
    %slice3A_65 = vector.extract_strided_slice %add3A_41 {offsets = [1024, 0], sizes = [512, 8], strides = [1, 1]} : vector<2048x8xf32> to vector<512x8xf32>
    %dot_general3A_66 = arith.constant dense<0.000000e+00> : vector<512x8xf32>
    %dot_general3A_67 = tpu.matmul %convert_element_type3A_45, %slice3A_65, %dot_general3A_66 {dimension_numbers = #tpu.dot_dimension_numbers<[1], [0], [0], [1], [0, 0, 1, 1], [], []>, transpose_lhs_hint = false} : vector<512x512xf32>, vector<512x8xf32>, vector<512x8xf32> -> vector<512x8xf32>
    %add3A_68 = vector.broadcast %add3A_64 : vector<1x8xf32> to vector<512x8xf32>
    %add3A_69 = arith.addf %dot_general3A_67, %add3A_68 : vector<512x8xf32>
    %reduce_sum3A_70 = arith.constant dense<0.000000e+00> : vector<8xf32>
    %reduce_sum3A_71 = vector.multi_reduction <add>, %slice3A_65, %reduce_sum3A_70 [0] : vector<512x8xf32> to vector<8xf32>
    %broadcast_in_dim3A_72 = vector.shape_cast %reduce_sum3A_71 : vector<8xf32> to vector<1x8xf32>
    %add3A_73 = arith.addf %add3A_64, %broadcast_in_dim3A_72 : vector<1x8xf32>
    %slice3A_74 = vector.extract_strided_slice %add3A_41 {offsets = [1536, 0], sizes = [512, 8], strides = [1, 1]} : vector<2048x8xf32> to vector<512x8xf32>
    %dot_general3A_75 = arith.constant dense<0.000000e+00> : vector<512x8xf32>
    %dot_general3A_76 = tpu.matmul %convert_element_type3A_45, %slice3A_74, %dot_general3A_75 {dimension_numbers = #tpu.dot_dimension_numbers<[1], [0], [0], [1], [0, 0, 1, 1], [], []>, transpose_lhs_hint = false} : vector<512x512xf32>, vector<512x8xf32>, vector<512x8xf32> -> vector<512x8xf32>
    %add3A_77 = vector.broadcast %add3A_73 : vector<1x8xf32> to vector<512x8xf32>
    %add3A_78 = arith.addf %dot_general3A_76, %add3A_77 : vector<512x8xf32>
    %reduce_sum3A_79 = arith.constant dense<0.000000e+00> : vector<8xf32>
    %reduce_sum3A_80 = vector.multi_reduction <add>, %slice3A_74, %reduce_sum3A_79 [0] : vector<512x8xf32> to vector<8xf32>
    %broadcast_in_dim3A_81 = vector.shape_cast %reduce_sum3A_80 : vector<8xf32> to vector<1x8xf32>
    %add3A_82 = arith.addf %add3A_73, %broadcast_in_dim3A_81 : vector<1x8xf32>
    %concatenate3A = tpu.concatenate %add3A_51, %add3A_60, %add3A_69, %add3A_78 in 0 : vector<512x8xf32>, vector<512x8xf32>, vector<512x8xf32>, vector<512x8xf32> -> vector<2048x8xf32>
    %broadcast_in_dim3A_83 = arith.constant 0.000000e+00 : f32
    %broadcast_in_dim3A_84 = vector.broadcast %broadcast_in_dim3A_83 : f32 to vector<1x1xf32>
    %slice3A_85 = vector.extract_strided_slice %add3A_82 {offsets = [0, 0], sizes = [1, 1], strides = [1, 1]} : vector<1x8xf32> to vector<1x1xf32>
    %add3A_86 = arith.addf %broadcast_in_dim3A_84, %slice3A_85 : vector<1x1xf32>
    %slice3A_87 = vector.extract_strided_slice %add3A_82 {offsets = [0, 1], sizes = [1, 1], strides = [1, 1]} : vector<1x8xf32> to vector<1x1xf32>
    %add3A_88 = arith.addf %add3A_86, %slice3A_87 : vector<1x1xf32>
    %slice3A_89 = vector.extract_strided_slice %add3A_82 {offsets = [0, 2], sizes = [1, 1], strides = [1, 1]} : vector<1x8xf32> to vector<1x1xf32>
    %add3A_90 = arith.addf %add3A_88, %slice3A_89 : vector<1x1xf32>
    %slice3A_91 = vector.extract_strided_slice %add3A_82 {offsets = [0, 3], sizes = [1, 1], strides = [1, 1]} : vector<1x8xf32> to vector<1x1xf32>
    %add3A_92 = arith.addf %add3A_90, %slice3A_91 : vector<1x1xf32>
    %slice3A_93 = vector.extract_strided_slice %add3A_82 {offsets = [0, 4], sizes = [1, 1], strides = [1, 1]} : vector<1x8xf32> to vector<1x1xf32>
    %add3A_94 = arith.addf %add3A_92, %slice3A_93 : vector<1x1xf32>
    %slice3A_95 = vector.extract_strided_slice %add3A_82 {offsets = [0, 5], sizes = [1, 1], strides = [1, 1]} : vector<1x8xf32> to vector<1x1xf32>
    %add3A_96 = arith.addf %add3A_94, %slice3A_95 : vector<1x1xf32>
    %slice3A_97 = vector.extract_strided_slice %add3A_82 {offsets = [0, 6], sizes = [1, 1], strides = [1, 1]} : vector<1x8xf32> to vector<1x1xf32>
    %add3A_98 = arith.addf %add3A_96, %slice3A_97 : vector<1x1xf32>
    %concatenate3A_99 = tpu.concatenate %broadcast_in_dim3A_84, %add3A_86, %add3A_88, %add3A_90, %add3A_92, %add3A_94, %add3A_96, %add3A_98 in 1 : vector<1x1xf32>, vector<1x1xf32>, vector<1x1xf32>, vector<1x1xf32>, vector<1x1xf32>, vector<1x1xf32>, vector<1x1xf32>, vector<1x1xf32> -> vector<1x8xf32>
    %add3A_100 = arith.addf %concatenate3A_99, %add3A_82 : vector<1x8xf32>
    %add3A_101 = vector.broadcast %concatenate3A_99 : vector<1x8xf32> to vector<2048x8xf32>
    %add3A_102 = arith.addf %add3A_101, %concatenate3A : vector<2048x8xf32>
    %jit3A_103 = arith.constant 0.000000e+00 : f32
    %broadcast_in_dim3A_104 = vector.broadcast %jit3A_103 : f32 to vector<2048x8xf32>
    %select_n3A_105 = arith.select %eq3A_19, %add3A_102, %broadcast_in_dim3A_104 : vector<2048x8xi1>, vector<2048x8xf32>
    %reduce_sum3A_106 = arith.constant dense<0.000000e+00> : vector<2048xf32>
    %reduce_sum3A_107 = vector.multi_reduction <add>, %select_n3A_105, %reduce_sum3A_106 [1] : vector<2048x8xf32> to vector<2048xf32>
    %broadcast_in_dim3A_108 = vector.shape_cast %reduce_sum3A_107 : vector<2048xf32> to vector<2048x1xf32>
    %jit3A_109 = arith.constant 0.000000e+00 : f32
    %broadcast_in_dim3A_110 = vector.broadcast %jit3A_109 : f32 to vector<2048x8xf32>
    %select_n3A_111 = arith.select %eq3A_35, %add3A_102, %broadcast_in_dim3A_110 : vector<2048x8xi1>, vector<2048x8xf32>
    %reduce_sum3A_112 = arith.constant dense<0.000000e+00> : vector<2048xf32>
    %reduce_sum3A_113 = vector.multi_reduction <add>, %select_n3A_111, %reduce_sum3A_112 [1] : vector<2048x8xf32> to vector<2048xf32>
    %broadcast_in_dim3A_114 = vector.shape_cast %reduce_sum3A_113 : vector<2048xf32> to vector<2048x1xf32>
    %concatenate3A_115 = tpu.concatenate %broadcast_in_dim3A_108, %broadcast_in_dim3A_114 in 1 : vector<2048x1xf32>, vector<2048x1xf32> -> vector<2048x2xf32>
    %convert_element_type3A_116 = arith.fptosi %concatenate3A_115 : vector<2048x2xf32> to vector<2048x2xi32>
    %swap3A = arith.constant 0 : index
    %swap3A_117 = arith.constant 0 : index
    %swap3A_118 = vector.load %arg2[%swap3A, %swap3A_117] : memref<2048x2xi32, #tpu.memory_space<vmem>>, vector<2048x2xi32>
    tpu.vector_store %arg2[%swap3A, %swap3A_117], %convert_element_type3A_116 {strides = array<i32>} : memref<2048x2xi32, #tpu.memory_space<vmem>>, vector<2048x2xi32>,
    %concatenate3A_119 = tpu.concatenate %div3A_36, %div3A_37 in 1 : vector<2048x1xf32>, vector<2048x1xf32> -> vector<2048x2xf32>
    %swap3A_120 = arith.constant 0 : index
    %swap3A_121 = arith.constant 0 : index
    %swap3A_122 = vector.load %arg3[%swap3A_120, %swap3A_121] : memref<2048x2xf32, #tpu.memory_space<vmem>>, vector<2048x2xf32>
    tpu.vector_store %arg3[%swap3A_120, %swap3A_121], %concatenate3A_119 {strides = array<i32>} : memref<2048x2xf32, #tpu.memory_space<vmem>>, vector<2048x2xf32>,
    %convert_element_type3A_123 = arith.fptosi %concatenate3A_99 : vector<1x8xf32> to vector<1x8xi32>
    %convert_element_type3A_124 = arith.fptosi %add3A_100 : vector<1x8xf32> to vector<1x8xi32>
    %convert_element_type3A_125 = arith.fptosi %add3A_82 : vector<1x8xf32> to vector<1x8xi32>
    %jit3A_126 = arith.constant 512 : i32
    %div3A_127 = vector.broadcast %jit3A_126 : i32 to vector<1x8xi32>
    %div3A_128 = arith.divsi %convert_element_type3A_123, %div3A_127 : vector<1x8xi32>
    %sign3A = arith.constant 0 : i32
    %sign3A_129 = vector.broadcast %sign3A : i32 to vector<1x8xi32>
    %sign3A_130 = arith.cmpi sgt, %convert_element_type3A_123, %sign3A_129 : vector<1x8xi32>
    %sign3A_131 = arith.extui %sign3A_130 : vector<1x8xi1> to vector<1x8xi32>
    %sign3A_132 = arith.constant 0 : i32
    %sign3A_133 = vector.broadcast %sign3A_132 : i32 to vector<1x8xi32>
    %sign3A_134 = arith.cmpi slt, %convert_element_type3A_123, %sign3A_133 : vector<1x8xi32>
    %sign3A_135 = arith.extui %sign3A_134 : vector<1x8xi1> to vector<1x8xi32>
    %sign3A_136 = arith.subi %sign3A_131, %sign3A_135 : vector<1x8xi32>
    %sign3A_137 = arith.constant 0 : i32
    %sign3A_138 = arith.cmpi sgt, %jit3A_126, %sign3A_137 : i32
    %sign3A_139 = arith.extui %sign3A_138 : i1 to i32
    %sign3A_140 = arith.constant 0 : i32
    %sign3A_141 = arith.cmpi slt, %jit3A_126, %sign3A_140 : i32
    %sign3A_142 = arith.extui %sign3A_141 : i1 to i32
    %sign3A_143 = arith.subi %sign3A_139, %sign3A_142 : i32
    %ne3A = vector.broadcast %sign3A_143 : i32 to vector<1x8xi32>
    %ne3A_144 = arith.cmpi ne, %sign3A_136, %ne3A : vector<1x8xi32>
    %rem3A = vector.broadcast %jit3A_126 : i32 to vector<1x8xi32>
    %rem3A_145 = arith.remsi %convert_element_type3A_123, %rem3A : vector<1x8xi32>
    %ne3A_146 = arith.constant 0 : i32
    %ne3A_147 = vector.broadcast %ne3A_146 : i32 to vector<1x8xi32>
    %ne3A_148 = arith.cmpi ne, %rem3A_145, %ne3A_147 : vector<1x8xi32>
    %and3A = arith.andi %ne3A_144, %ne3A_148 : vector<1x8xi1>
    %sub3A_149 = arith.constant 1 : i32
    %sub3A_150 = vector.broadcast %sub3A_149 : i32 to vector<1x8xi32>
    %sub3A_151 = arith.subi %div3A_128, %sub3A_150 : vector<1x8xi32>
    %select_n3A_152 = arith.select %and3A, %sub3A_151, %div3A_128 : vector<1x8xi1>, vector<1x8xi32>
    %gt3A_153 = arith.constant 0 : i32
    %gt3A_154 = vector.broadcast %gt3A_153 : i32 to vector<1x8xi32>
    %gt3A_155 = arith.cmpi sgt, %convert_element_type3A_125, %gt3A_154 : vector<1x8xi32>
    %sub3A_156 = arith.constant 1 : i32
    %sub3A_157 = vector.broadcast %sub3A_156 : i32 to vector<1x8xi32>
    %sub3A_158 = arith.subi %convert_element_type3A_124, %sub3A_157 : vector<1x8xi32>
    %jit3A_159 = arith.constant 512 : i32
    %div3A_160 = vector.broadcast %jit3A_159 : i32 to vector<1x8xi32>
    %div3A_161 = arith.divsi %sub3A_158, %div3A_160 : vector<1x8xi32>
    %sign3A_162 = arith.constant 0 : i32
    %sign3A_163 = vector.broadcast %sign3A_162 : i32 to vector<1x8xi32>
    %sign3A_164 = arith.cmpi sgt, %sub3A_158, %sign3A_163 : vector<1x8xi32>
    %sign3A_165 = arith.extui %sign3A_164 : vector<1x8xi1> to vector<1x8xi32>
    %sign3A_166 = arith.constant 0 : i32
    %sign3A_167 = vector.broadcast %sign3A_166 : i32 to vector<1x8xi32>
    %sign3A_168 = arith.cmpi slt, %sub3A_158, %sign3A_167 : vector<1x8xi32>
    %sign3A_169 = arith.extui %sign3A_168 : vector<1x8xi1> to vector<1x8xi32>
    %sign3A_170 = arith.subi %sign3A_165, %sign3A_169 : vector<1x8xi32>
    %sign3A_171 = arith.constant 0 : i32
    %sign3A_172 = arith.cmpi sgt, %jit3A_159, %sign3A_171 : i32
    %sign3A_173 = arith.extui %sign3A_172 : i1 to i32
    %sign3A_174 = arith.constant 0 : i32
    %sign3A_175 = arith.cmpi slt, %jit3A_159, %sign3A_174 : i32
    %sign3A_176 = arith.extui %sign3A_175 : i1 to i32
    %sign3A_177 = arith.subi %sign3A_173, %sign3A_176 : i32
    %ne3A_178 = vector.broadcast %sign3A_177 : i32 to vector<1x8xi32>
    %ne3A_179 = arith.cmpi ne, %sign3A_170, %ne3A_178 : vector<1x8xi32>
    %rem3A_180 = vector.broadcast %jit3A_159 : i32 to vector<1x8xi32>
    %rem3A_181 = arith.remsi %sub3A_158, %rem3A_180 : vector<1x8xi32>
    %ne3A_182 = arith.constant 0 : i32
    %ne3A_183 = vector.broadcast %ne3A_182 : i32 to vector<1x8xi32>
    %ne3A_184 = arith.cmpi ne, %rem3A_181, %ne3A_183 : vector<1x8xi32>
    %and3A_185 = arith.andi %ne3A_179, %ne3A_184 : vector<1x8xi1>
    %sub3A_186 = arith.constant 1 : i32
    %sub3A_187 = vector.broadcast %sub3A_186 : i32 to vector<1x8xi32>
    %sub3A_188 = arith.subi %div3A_161, %sub3A_187 : vector<1x8xi32>
    %select_n3A_189 = arith.select %and3A_185, %sub3A_188, %div3A_161 : vector<1x8xi1>, vector<1x8xi32>
    %jit3A_190 = arith.constant -1 : i32
    %broadcast_in_dim3A_191 = vector.broadcast %jit3A_190 : i32 to vector<1x8xi32>
    %select_n3A_192 = arith.select %gt3A_155, %select_n3A_189, %broadcast_in_dim3A_191 : vector<1x8xi1>, vector<1x8xi32>
    %gt3A_193 = arith.constant 0 : i32
    %gt3A_194 = vector.broadcast %gt3A_193 : i32 to vector<1x8xi32>
    %gt3A_195 = arith.cmpi sgt, %convert_element_type3A_125, %gt3A_194 : vector<1x8xi32>
    %sub3A_196 = arith.subi %select_n3A_192, %select_n3A_152 : vector<1x8xi32>
    %add3A_197 = arith.constant 1 : i32
    %add3A_198 = vector.broadcast %add3A_197 : i32 to vector<1x8xi32>
    %add3A_199 = arith.addi %sub3A_196, %add3A_198 : vector<1x8xi32>
    %jit3A_200 = arith.constant 0 : i32
    %broadcast_in_dim3A_201 = vector.broadcast %jit3A_200 : i32 to vector<1x8xi32>
    %select_n3A_202 = arith.select %gt3A_195, %add3A_199, %broadcast_in_dim3A_201 : vector<1x8xi1>, vector<1x8xi32>
    %broadcast_in_dim3A_203 = arith.constant 0 : i32
    %broadcast_in_dim3A_204 = vector.broadcast %broadcast_in_dim3A_203 : i32 to vector<1x1xi32>
    %slice3A_205 = vector.extract_strided_slice %select_n3A_202 {offsets = [0, 0], sizes = [1, 1], strides = [1, 1]} : vector<1x8xi32> to vector<1x1xi32>
    %add3A_206 = arith.addi %broadcast_in_dim3A_204, %slice3A_205 : vector<1x1xi32>
    %slice3A_207 = vector.extract_strided_slice %select_n3A_202 {offsets = [0, 1], sizes = [1, 1], strides = [1, 1]} : vector<1x8xi32> to vector<1x1xi32>
    %add3A_208 = arith.addi %add3A_206, %slice3A_207 : vector<1x1xi32>
    %slice3A_209 = vector.extract_strided_slice %select_n3A_202 {offsets = [0, 2], sizes = [1, 1], strides = [1, 1]} : vector<1x8xi32> to vector<1x1xi32>
    %add3A_210 = arith.addi %add3A_208, %slice3A_209 : vector<1x1xi32>
    %slice3A_211 = vector.extract_strided_slice %select_n3A_202 {offsets = [0, 3], sizes = [1, 1], strides = [1, 1]} : vector<1x8xi32> to vector<1x1xi32>
    %add3A_212 = arith.addi %add3A_210, %slice3A_211 : vector<1x1xi32>
    %slice3A_213 = vector.extract_strided_slice %select_n3A_202 {offsets = [0, 4], sizes = [1, 1], strides = [1, 1]} : vector<1x8xi32> to vector<1x1xi32>
    %add3A_214 = arith.addi %add3A_212, %slice3A_213 : vector<1x1xi32>
    %slice3A_215 = vector.extract_strided_slice %select_n3A_202 {offsets = [0, 5], sizes = [1, 1], strides = [1, 1]} : vector<1x8xi32> to vector<1x1xi32>
    %add3A_216 = arith.addi %add3A_214, %slice3A_215 : vector<1x1xi32>
    %slice3A_217 = vector.extract_strided_slice %select_n3A_202 {offsets = [0, 6], sizes = [1, 1], strides = [1, 1]} : vector<1x8xi32> to vector<1x1xi32>
    %add3A_218 = arith.addi %add3A_216, %slice3A_217 : vector<1x1xi32>
    %slice3A_219 = vector.extract_strided_slice %select_n3A_202 {offsets = [0, 7], sizes = [1, 1], strides = [1, 1]} : vector<1x8xi32> to vector<1x1xi32>
    %add3A_220 = arith.addi %add3A_218, %slice3A_219 : vector<1x1xi32>
    %concatenate3A_221 = tpu.concatenate %add3A_206, %add3A_208, %add3A_210, %add3A_212, %add3A_214, %add3A_216, %add3A_218, %add3A_220 in 1 : vector<1x1xi32>, vector<1x1xi32>, vector<1x1xi32>, vector<1x1xi32>, vector<1x1xi32>, vector<1x1xi32>, vector<1x1xi32>, vector<1x1xi32> -> vector<1x8xi32>
    %broadcast_in_dim3A_222 = arith.constant 0 : i32
    %broadcast_in_dim3A_223 = vector.broadcast %broadcast_in_dim3A_222 : i32 to vector<1x1xi32>
    %slice3A_224 = vector.extract_strided_slice %select_n3A_202 {offsets = [0, 0], sizes = [1, 1], strides = [1, 1]} : vector<1x8xi32> to vector<1x1xi32>
    %add3A_225 = arith.addi %broadcast_in_dim3A_223, %slice3A_224 : vector<1x1xi32>
    %slice3A_226 = vector.extract_strided_slice %select_n3A_202 {offsets = [0, 1], sizes = [1, 1], strides = [1, 1]} : vector<1x8xi32> to vector<1x1xi32>
    %add3A_227 = arith.addi %add3A_225, %slice3A_226 : vector<1x1xi32>
    %slice3A_228 = vector.extract_strided_slice %select_n3A_202 {offsets = [0, 2], sizes = [1, 1], strides = [1, 1]} : vector<1x8xi32> to vector<1x1xi32>
    %add3A_229 = arith.addi %add3A_227, %slice3A_228 : vector<1x1xi32>
    %slice3A_230 = vector.extract_strided_slice %select_n3A_202 {offsets = [0, 3], sizes = [1, 1], strides = [1, 1]} : vector<1x8xi32> to vector<1x1xi32>
    %add3A_231 = arith.addi %add3A_229, %slice3A_230 : vector<1x1xi32>
    %slice3A_232 = vector.extract_strided_slice %select_n3A_202 {offsets = [0, 4], sizes = [1, 1], strides = [1, 1]} : vector<1x8xi32> to vector<1x1xi32>
    %add3A_233 = arith.addi %add3A_231, %slice3A_232 : vector<1x1xi32>
    %slice3A_234 = vector.extract_strided_slice %select_n3A_202 {offsets = [0, 5], sizes = [1, 1], strides = [1, 1]} : vector<1x8xi32> to vector<1x1xi32>
    %add3A_235 = arith.addi %add3A_233, %slice3A_234 : vector<1x1xi32>
    %slice3A_236 = vector.extract_strided_slice %select_n3A_202 {offsets = [0, 6], sizes = [1, 1], strides = [1, 1]} : vector<1x8xi32> to vector<1x1xi32>
    %add3A_237 = arith.addi %add3A_235, %slice3A_236 : vector<1x1xi32>
    %concatenate3A_238 = tpu.concatenate %broadcast_in_dim3A_223, %add3A_225, %add3A_227, %add3A_229, %add3A_231, %add3A_233, %add3A_235, %add3A_237 in 1 : vector<1x1xi32>, vector<1x1xi32>, vector<1x1xi32>, vector<1x1xi32>, vector<1x1xi32>, vector<1x1xi32>, vector<1x1xi32>, vector<1x1xi32> -> vector<1x8xi32>
    %slice3A_239 = vector.extract_strided_slice %concatenate3A_221 {offsets = [0, 7], sizes = [1, 1], strides = [1, 1]} : vector<1x8xi32> to vector<1x1xi32>
    %iota3A_240 = tpu.iota {dimensions = array<i32: 1>} : vector<1x15xi32>
    %broadcast_in_dim3A_241 = arith.constant 0 : i32
    %broadcast_in_dim3A_242 = vector.broadcast %broadcast_in_dim3A_241 : i32 to vector<1x15xi32>
    %slice3A_243 = vector.extract_strided_slice %concatenate3A_221 {offsets = [0, 0], sizes = [1, 1], strides = [1, 1]} : vector<1x8xi32> to vector<1x1xi32>
    %le3A = vector.broadcast %slice3A_243 : vector<1x1xi32> to vector<1x15xi32>
    %le3A_244 = arith.cmpi sle, %le3A, %iota3A_240 : vector<1x15xi32>
    %convert_element_type3A_245 = arith.extui %le3A_244 : vector<1x15xi1> to vector<1x15xi32>
    %add3A_246 = arith.addi %broadcast_in_dim3A_242, %convert_element_type3A_245 : vector<1x15xi32>
    %slice3A_247 = vector.extract_strided_slice %concatenate3A_221 {offsets = [0, 1], sizes = [1, 1], strides = [1, 1]} : vector<1x8xi32> to vector<1x1xi32>
    %le3A_248 = vector.broadcast %slice3A_247 : vector<1x1xi32> to vector<1x15xi32>
    %le3A_249 = arith.cmpi sle, %le3A_248, %iota3A_240 : vector<1x15xi32>
    %convert_element_type3A_250 = arith.extui %le3A_249 : vector<1x15xi1> to vector<1x15xi32>
    %add3A_251 = arith.addi %add3A_246, %convert_element_type3A_250 : vector<1x15xi32>
    %slice3A_252 = vector.extract_strided_slice %concatenate3A_221 {offsets = [0, 2], sizes = [1, 1], strides = [1, 1]} : vector<1x8xi32> to vector<1x1xi32>
    %le3A_253 = vector.broadcast %slice3A_252 : vector<1x1xi32> to vector<1x15xi32>
    %le3A_254 = arith.cmpi sle, %le3A_253, %iota3A_240 : vector<1x15xi32>
    %convert_element_type3A_255 = arith.extui %le3A_254 : vector<1x15xi1> to vector<1x15xi32>
    %add3A_256 = arith.addi %add3A_251, %convert_element_type3A_255 : vector<1x15xi32>
    %slice3A_257 = vector.extract_strided_slice %concatenate3A_221 {offsets = [0, 3], sizes = [1, 1], strides = [1, 1]} : vector<1x8xi32> to vector<1x1xi32>
    %le3A_258 = vector.broadcast %slice3A_257 : vector<1x1xi32> to vector<1x15xi32>
    %le3A_259 = arith.cmpi sle, %le3A_258, %iota3A_240 : vector<1x15xi32>
    %convert_element_type3A_260 = arith.extui %le3A_259 : vector<1x15xi1> to vector<1x15xi32>
    %add3A_261 = arith.addi %add3A_256, %convert_element_type3A_260 : vector<1x15xi32>
    %slice3A_262 = vector.extract_strided_slice %concatenate3A_221 {offsets = [0, 4], sizes = [1, 1], strides = [1, 1]} : vector<1x8xi32> to vector<1x1xi32>
    %le3A_263 = vector.broadcast %slice3A_262 : vector<1x1xi32> to vector<1x15xi32>
    %le3A_264 = arith.cmpi sle, %le3A_263, %iota3A_240 : vector<1x15xi32>
    %convert_element_type3A_265 = arith.extui %le3A_264 : vector<1x15xi1> to vector<1x15xi32>
    %add3A_266 = arith.addi %add3A_261, %convert_element_type3A_265 : vector<1x15xi32>
    %slice3A_267 = vector.extract_strided_slice %concatenate3A_221 {offsets = [0, 5], sizes = [1, 1], strides = [1, 1]} : vector<1x8xi32> to vector<1x1xi32>
    %le3A_268 = vector.broadcast %slice3A_267 : vector<1x1xi32> to vector<1x15xi32>
    %le3A_269 = arith.cmpi sle, %le3A_268, %iota3A_240 : vector<1x15xi32>
    %convert_element_type3A_270 = arith.extui %le3A_269 : vector<1x15xi1> to vector<1x15xi32>
    %add3A_271 = arith.addi %add3A_266, %convert_element_type3A_270 : vector<1x15xi32>
    %slice3A_272 = vector.extract_strided_slice %concatenate3A_221 {offsets = [0, 6], sizes = [1, 1], strides = [1, 1]} : vector<1x8xi32> to vector<1x1xi32>
    %le3A_273 = vector.broadcast %slice3A_272 : vector<1x1xi32> to vector<1x15xi32>
    %le3A_274 = arith.cmpi sle, %le3A_273, %iota3A_240 : vector<1x15xi32>
    %convert_element_type3A_275 = arith.extui %le3A_274 : vector<1x15xi1> to vector<1x15xi32>
    %add3A_276 = arith.addi %add3A_271, %convert_element_type3A_275 : vector<1x15xi32>
    %slice3A_277 = vector.extract_strided_slice %concatenate3A_221 {offsets = [0, 7], sizes = [1, 1], strides = [1, 1]} : vector<1x8xi32> to vector<1x1xi32>
    %le3A_278 = vector.broadcast %slice3A_277 : vector<1x1xi32> to vector<1x15xi32>
    %le3A_279 = arith.cmpi sle, %le3A_278, %iota3A_240 : vector<1x15xi32>
    %convert_element_type3A_280 = arith.extui %le3A_279 : vector<1x15xi1> to vector<1x15xi32>
    %add3A_281 = arith.addi %add3A_276, %convert_element_type3A_280 : vector<1x15xi32>
    %min3A = arith.constant 7 : i32
    %min3A_282 = vector.broadcast %min3A : i32 to vector<1x15xi32>
    %min3A_283 = arith.minsi %add3A_281, %min3A_282 : vector<1x15xi32>
    %broadcast_in_dim3A_284 = arith.constant 0 : i32
    %broadcast_in_dim3A_285 = vector.broadcast %broadcast_in_dim3A_284 : i32 to vector<1x15xi32>
    %eq3A_286 = arith.constant 0 : i32
    %eq3A_287 = vector.broadcast %eq3A_286 : i32 to vector<1x15xi32>
    %eq3A_288 = arith.cmpi eq, %min3A_283, %eq3A_287 : vector<1x15xi32>
    %slice3A_289 = vector.extract_strided_slice %select_n3A_152 {offsets = [0, 0], sizes = [1, 1], strides = [1, 1]} : vector<1x8xi32> to vector<1x1xi32>
    %jit3A_290 = arith.constant 0 : i32
    %broadcast_in_dim3A_291 = vector.shape_cast %slice3A_289 : vector<1x1xi32> to vector<1x1xi32>
    %broadcast_in_dim3A_292 = vector.broadcast %broadcast_in_dim3A_291 : vector<1x1xi32> to vector<1x15xi32>
    %broadcast_in_dim3A_293 = vector.broadcast %jit3A_290 : i32 to vector<1x15xi32>
    %select_n3A_294 = arith.select %eq3A_288, %broadcast_in_dim3A_292, %broadcast_in_dim3A_293 : vector<1x15xi1>, vector<1x15xi32>
    %add3A_295 = arith.addi %broadcast_in_dim3A_285, %select_n3A_294 : vector<1x15xi32>
    %eq3A_296 = arith.constant 1 : i32
    %eq3A_297 = vector.broadcast %eq3A_296 : i32 to vector<1x15xi32>
    %eq3A_298 = arith.cmpi eq, %min3A_283, %eq3A_297 : vector<1x15xi32>
    %slice3A_299 = vector.extract_strided_slice %select_n3A_152 {offsets = [0, 1], sizes = [1, 1], strides = [1, 1]} : vector<1x8xi32> to vector<1x1xi32>
    %jit3A_300 = arith.constant 0 : i32
    %broadcast_in_dim3A_301 = vector.shape_cast %slice3A_299 : vector<1x1xi32> to vector<1x1xi32>
    %broadcast_in_dim3A_302 = vector.broadcast %broadcast_in_dim3A_301 : vector<1x1xi32> to vector<1x15xi32>
    %broadcast_in_dim3A_303 = vector.broadcast %jit3A_300 : i32 to vector<1x15xi32>
    %select_n3A_304 = arith.select %eq3A_298, %broadcast_in_dim3A_302, %broadcast_in_dim3A_303 : vector<1x15xi1>, vector<1x15xi32>
    %add3A_305 = arith.addi %add3A_295, %select_n3A_304 : vector<1x15xi32>
    %eq3A_306 = arith.constant 2 : i32
    %eq3A_307 = vector.broadcast %eq3A_306 : i32 to vector<1x15xi32>
    %eq3A_308 = arith.cmpi eq, %min3A_283, %eq3A_307 : vector<1x15xi32>
    %slice3A_309 = vector.extract_strided_slice %select_n3A_152 {offsets = [0, 2], sizes = [1, 1], strides = [1, 1]} : vector<1x8xi32> to vector<1x1xi32>
    %jit3A_310 = arith.constant 0 : i32
    %broadcast_in_dim3A_311 = vector.shape_cast %slice3A_309 : vector<1x1xi32> to vector<1x1xi32>
    %broadcast_in_dim3A_312 = vector.broadcast %broadcast_in_dim3A_311 : vector<1x1xi32> to vector<1x15xi32>
    %broadcast_in_dim3A_313 = vector.broadcast %jit3A_310 : i32 to vector<1x15xi32>
    %select_n3A_314 = arith.select %eq3A_308, %broadcast_in_dim3A_312, %broadcast_in_dim3A_313 : vector<1x15xi1>, vector<1x15xi32>
    %add3A_315 = arith.addi %add3A_305, %select_n3A_314 : vector<1x15xi32>
    %eq3A_316 = arith.constant 3 : i32
    %eq3A_317 = vector.broadcast %eq3A_316 : i32 to vector<1x15xi32>
    %eq3A_318 = arith.cmpi eq, %min3A_283, %eq3A_317 : vector<1x15xi32>
    %slice3A_319 = vector.extract_strided_slice %select_n3A_152 {offsets = [0, 3], sizes = [1, 1], strides = [1, 1]} : vector<1x8xi32> to vector<1x1xi32>
    %jit3A_320 = arith.constant 0 : i32
    %broadcast_in_dim3A_321 = vector.shape_cast %slice3A_319 : vector<1x1xi32> to vector<1x1xi32>
    %broadcast_in_dim3A_322 = vector.broadcast %broadcast_in_dim3A_321 : vector<1x1xi32> to vector<1x15xi32>
    %broadcast_in_dim3A_323 = vector.broadcast %jit3A_320 : i32 to vector<1x15xi32>
    %select_n3A_324 = arith.select %eq3A_318, %broadcast_in_dim3A_322, %broadcast_in_dim3A_323 : vector<1x15xi1>, vector<1x15xi32>
    %add3A_325 = arith.addi %add3A_315, %select_n3A_324 : vector<1x15xi32>
    %eq3A_326 = arith.constant 4 : i32
    %eq3A_327 = vector.broadcast %eq3A_326 : i32 to vector<1x15xi32>
    %eq3A_328 = arith.cmpi eq, %min3A_283, %eq3A_327 : vector<1x15xi32>
    %slice3A_329 = vector.extract_strided_slice %select_n3A_152 {offsets = [0, 4], sizes = [1, 1], strides = [1, 1]} : vector<1x8xi32> to vector<1x1xi32>
    %jit3A_330 = arith.constant 0 : i32
    %broadcast_in_dim3A_331 = vector.shape_cast %slice3A_329 : vector<1x1xi32> to vector<1x1xi32>
    %broadcast_in_dim3A_332 = vector.broadcast %broadcast_in_dim3A_331 : vector<1x1xi32> to vector<1x15xi32>
    %broadcast_in_dim3A_333 = vector.broadcast %jit3A_330 : i32 to vector<1x15xi32>
    %select_n3A_334 = arith.select %eq3A_328, %broadcast_in_dim3A_332, %broadcast_in_dim3A_333 : vector<1x15xi1>, vector<1x15xi32>
    %add3A_335 = arith.addi %add3A_325, %select_n3A_334 : vector<1x15xi32>
    %eq3A_336 = arith.constant 5 : i32
    %eq3A_337 = vector.broadcast %eq3A_336 : i32 to vector<1x15xi32>
    %eq3A_338 = arith.cmpi eq, %min3A_283, %eq3A_337 : vector<1x15xi32>
    %slice3A_339 = vector.extract_strided_slice %select_n3A_152 {offsets = [0, 5], sizes = [1, 1], strides = [1, 1]} : vector<1x8xi32> to vector<1x1xi32>
    %jit3A_340 = arith.constant 0 : i32
    %broadcast_in_dim3A_341 = vector.shape_cast %slice3A_339 : vector<1x1xi32> to vector<1x1xi32>
    %broadcast_in_dim3A_342 = vector.broadcast %broadcast_in_dim3A_341 : vector<1x1xi32> to vector<1x15xi32>
    %broadcast_in_dim3A_343 = vector.broadcast %jit3A_340 : i32 to vector<1x15xi32>
    %select_n3A_344 = arith.select %eq3A_338, %broadcast_in_dim3A_342, %broadcast_in_dim3A_343 : vector<1x15xi1>, vector<1x15xi32>
    %add3A_345 = arith.addi %add3A_335, %select_n3A_344 : vector<1x15xi32>
    %eq3A_346 = arith.constant 6 : i32
    %eq3A_347 = vector.broadcast %eq3A_346 : i32 to vector<1x15xi32>
    %eq3A_348 = arith.cmpi eq, %min3A_283, %eq3A_347 : vector<1x15xi32>
    %slice3A_349 = vector.extract_strided_slice %select_n3A_152 {offsets = [0, 6], sizes = [1, 1], strides = [1, 1]} : vector<1x8xi32> to vector<1x1xi32>
    %jit3A_350 = arith.constant 0 : i32
    %broadcast_in_dim3A_351 = vector.shape_cast %slice3A_349 : vector<1x1xi32> to vector<1x1xi32>
    %broadcast_in_dim3A_352 = vector.broadcast %broadcast_in_dim3A_351 : vector<1x1xi32> to vector<1x15xi32>
    %broadcast_in_dim3A_353 = vector.broadcast %jit3A_350 : i32 to vector<1x15xi32>
    %select_n3A_354 = arith.select %eq3A_348, %broadcast_in_dim3A_352, %broadcast_in_dim3A_353 : vector<1x15xi1>, vector<1x15xi32>
    %add3A_355 = arith.addi %add3A_345, %select_n3A_354 : vector<1x15xi32>
    %eq3A_356 = arith.constant 7 : i32
    %eq3A_357 = vector.broadcast %eq3A_356 : i32 to vector<1x15xi32>
    %eq3A_358 = arith.cmpi eq, %min3A_283, %eq3A_357 : vector<1x15xi32>
    %slice3A_359 = vector.extract_strided_slice %select_n3A_152 {offsets = [0, 7], sizes = [1, 1], strides = [1, 1]} : vector<1x8xi32> to vector<1x1xi32>
    %jit3A_360 = arith.constant 0 : i32
    %broadcast_in_dim3A_361 = vector.shape_cast %slice3A_359 : vector<1x1xi32> to vector<1x1xi32>
    %broadcast_in_dim3A_362 = vector.broadcast %broadcast_in_dim3A_361 : vector<1x1xi32> to vector<1x15xi32>
    %broadcast_in_dim3A_363 = vector.broadcast %jit3A_360 : i32 to vector<1x15xi32>
    %select_n3A_364 = arith.select %eq3A_358, %broadcast_in_dim3A_362, %broadcast_in_dim3A_363 : vector<1x15xi1>, vector<1x15xi32>
    %add3A_365 = arith.addi %add3A_355, %select_n3A_364 : vector<1x15xi32>
    %broadcast_in_dim3A_366 = arith.constant 0 : i32
    %broadcast_in_dim3A_367 = vector.broadcast %broadcast_in_dim3A_366 : i32 to vector<1x15xi32>
    %eq3A_368 = arith.constant 0 : i32
    %eq3A_369 = vector.broadcast %eq3A_368 : i32 to vector<1x15xi32>
    %eq3A_370 = arith.cmpi eq, %min3A_283, %eq3A_369 : vector<1x15xi32>
    %slice3A_371 = vector.extract_strided_slice %concatenate3A_238 {offsets = [0, 0], sizes = [1, 1], strides = [1, 1]} : vector<1x8xi32> to vector<1x1xi32>
    %jit3A_372 = arith.constant 0 : i32
    %broadcast_in_dim3A_373 = vector.shape_cast %slice3A_371 : vector<1x1xi32> to vector<1x1xi32>
    %broadcast_in_dim3A_374 = vector.broadcast %broadcast_in_dim3A_373 : vector<1x1xi32> to vector<1x15xi32>
    %broadcast_in_dim3A_375 = vector.broadcast %jit3A_372 : i32 to vector<1x15xi32>
    %select_n3A_376 = arith.select %eq3A_370, %broadcast_in_dim3A_374, %broadcast_in_dim3A_375 : vector<1x15xi1>, vector<1x15xi32>
    %add3A_377 = arith.addi %broadcast_in_dim3A_367, %select_n3A_376 : vector<1x15xi32>
    %eq3A_378 = arith.constant 1 : i32
    %eq3A_379 = vector.broadcast %eq3A_378 : i32 to vector<1x15xi32>
    %eq3A_380 = arith.cmpi eq, %min3A_283, %eq3A_379 : vector<1x15xi32>
    %slice3A_381 = vector.extract_strided_slice %concatenate3A_238 {offsets = [0, 1], sizes = [1, 1], strides = [1, 1]} : vector<1x8xi32> to vector<1x1xi32>
    %jit3A_382 = arith.constant 0 : i32
    %broadcast_in_dim3A_383 = vector.shape_cast %slice3A_381 : vector<1x1xi32> to vector<1x1xi32>
    %broadcast_in_dim3A_384 = vector.broadcast %broadcast_in_dim3A_383 : vector<1x1xi32> to vector<1x15xi32>
    %broadcast_in_dim3A_385 = vector.broadcast %jit3A_382 : i32 to vector<1x15xi32>
    %select_n3A_386 = arith.select %eq3A_380, %broadcast_in_dim3A_384, %broadcast_in_dim3A_385 : vector<1x15xi1>, vector<1x15xi32>
    %add3A_387 = arith.addi %add3A_377, %select_n3A_386 : vector<1x15xi32>
    %eq3A_388 = arith.constant 2 : i32
    %eq3A_389 = vector.broadcast %eq3A_388 : i32 to vector<1x15xi32>
    %eq3A_390 = arith.cmpi eq, %min3A_283, %eq3A_389 : vector<1x15xi32>
    %slice3A_391 = vector.extract_strided_slice %concatenate3A_238 {offsets = [0, 2], sizes = [1, 1], strides = [1, 1]} : vector<1x8xi32> to vector<1x1xi32>
    %jit3A_392 = arith.constant 0 : i32
    %broadcast_in_dim3A_393 = vector.shape_cast %slice3A_391 : vector<1x1xi32> to vector<1x1xi32>
    %broadcast_in_dim3A_394 = vector.broadcast %broadcast_in_dim3A_393 : vector<1x1xi32> to vector<1x15xi32>
    %broadcast_in_dim3A_395 = vector.broadcast %jit3A_392 : i32 to vector<1x15xi32>
    %select_n3A_396 = arith.select %eq3A_390, %broadcast_in_dim3A_394, %broadcast_in_dim3A_395 : vector<1x15xi1>, vector<1x15xi32>
    %add3A_397 = arith.addi %add3A_387, %select_n3A_396 : vector<1x15xi32>
    %eq3A_398 = arith.constant 3 : i32
    %eq3A_399 = vector.broadcast %eq3A_398 : i32 to vector<1x15xi32>
    %eq3A_400 = arith.cmpi eq, %min3A_283, %eq3A_399 : vector<1x15xi32>
    %slice3A_401 = vector.extract_strided_slice %concatenate3A_238 {offsets = [0, 3], sizes = [1, 1], strides = [1, 1]} : vector<1x8xi32> to vector<1x1xi32>
    %jit3A_402 = arith.constant 0 : i32
    %broadcast_in_dim3A_403 = vector.shape_cast %slice3A_401 : vector<1x1xi32> to vector<1x1xi32>
    %broadcast_in_dim3A_404 = vector.broadcast %broadcast_in_dim3A_403 : vector<1x1xi32> to vector<1x15xi32>
    %broadcast_in_dim3A_405 = vector.broadcast %jit3A_402 : i32 to vector<1x15xi32>
    %select_n3A_406 = arith.select %eq3A_400, %broadcast_in_dim3A_404, %broadcast_in_dim3A_405 : vector<1x15xi1>, vector<1x15xi32>
    %add3A_407 = arith.addi %add3A_397, %select_n3A_406 : vector<1x15xi32>
    %eq3A_408 = arith.constant 4 : i32
    %eq3A_409 = vector.broadcast %eq3A_408 : i32 to vector<1x15xi32>
    %eq3A_410 = arith.cmpi eq, %min3A_283, %eq3A_409 : vector<1x15xi32>
    %slice3A_411 = vector.extract_strided_slice %concatenate3A_238 {offsets = [0, 4], sizes = [1, 1], strides = [1, 1]} : vector<1x8xi32> to vector<1x1xi32>
    %jit3A_412 = arith.constant 0 : i32
    %broadcast_in_dim3A_413 = vector.shape_cast %slice3A_411 : vector<1x1xi32> to vector<1x1xi32>
    %broadcast_in_dim3A_414 = vector.broadcast %broadcast_in_dim3A_413 : vector<1x1xi32> to vector<1x15xi32>
    %broadcast_in_dim3A_415 = vector.broadcast %jit3A_412 : i32 to vector<1x15xi32>
    %select_n3A_416 = arith.select %eq3A_410, %broadcast_in_dim3A_414, %broadcast_in_dim3A_415 : vector<1x15xi1>, vector<1x15xi32>
    %add3A_417 = arith.addi %add3A_407, %select_n3A_416 : vector<1x15xi32>
    %eq3A_418 = arith.constant 5 : i32
    %eq3A_419 = vector.broadcast %eq3A_418 : i32 to vector<1x15xi32>
    %eq3A_420 = arith.cmpi eq, %min3A_283, %eq3A_419 : vector<1x15xi32>
    %slice3A_421 = vector.extract_strided_slice %concatenate3A_238 {offsets = [0, 5], sizes = [1, 1], strides = [1, 1]} : vector<1x8xi32> to vector<1x1xi32>
    %jit3A_422 = arith.constant 0 : i32
    %broadcast_in_dim3A_423 = vector.shape_cast %slice3A_421 : vector<1x1xi32> to vector<1x1xi32>
    %broadcast_in_dim3A_424 = vector.broadcast %broadcast_in_dim3A_423 : vector<1x1xi32> to vector<1x15xi32>
    %broadcast_in_dim3A_425 = vector.broadcast %jit3A_422 : i32 to vector<1x15xi32>
    %select_n3A_426 = arith.select %eq3A_420, %broadcast_in_dim3A_424, %broadcast_in_dim3A_425 : vector<1x15xi1>, vector<1x15xi32>
    %add3A_427 = arith.addi %add3A_417, %select_n3A_426 : vector<1x15xi32>
    %eq3A_428 = arith.constant 6 : i32
    %eq3A_429 = vector.broadcast %eq3A_428 : i32 to vector<1x15xi32>
    %eq3A_430 = arith.cmpi eq, %min3A_283, %eq3A_429 : vector<1x15xi32>
    %slice3A_431 = vector.extract_strided_slice %concatenate3A_238 {offsets = [0, 6], sizes = [1, 1], strides = [1, 1]} : vector<1x8xi32> to vector<1x1xi32>
    %jit3A_432 = arith.constant 0 : i32
    %broadcast_in_dim3A_433 = vector.shape_cast %slice3A_431 : vector<1x1xi32> to vector<1x1xi32>
    %broadcast_in_dim3A_434 = vector.broadcast %broadcast_in_dim3A_433 : vector<1x1xi32> to vector<1x15xi32>
    %broadcast_in_dim3A_435 = vector.broadcast %jit3A_432 : i32 to vector<1x15xi32>
    %select_n3A_436 = arith.select %eq3A_430, %broadcast_in_dim3A_434, %broadcast_in_dim3A_435 : vector<1x15xi1>, vector<1x15xi32>
    %add3A_437 = arith.addi %add3A_427, %select_n3A_436 : vector<1x15xi32>
    %eq3A_438 = arith.constant 7 : i32
    %eq3A_439 = vector.broadcast %eq3A_438 : i32 to vector<1x15xi32>
    %eq3A_440 = arith.cmpi eq, %min3A_283, %eq3A_439 : vector<1x15xi32>
    %slice3A_441 = vector.extract_strided_slice %concatenate3A_238 {offsets = [0, 7], sizes = [1, 1], strides = [1, 1]} : vector<1x8xi32> to vector<1x1xi32>
    %jit3A_442 = arith.constant 0 : i32
    %broadcast_in_dim3A_443 = vector.shape_cast %slice3A_441 : vector<1x1xi32> to vector<1x1xi32>
    %broadcast_in_dim3A_444 = vector.broadcast %broadcast_in_dim3A_443 : vector<1x1xi32> to vector<1x15xi32>
    %broadcast_in_dim3A_445 = vector.broadcast %jit3A_442 : i32 to vector<1x15xi32>
    %select_n3A_446 = arith.select %eq3A_440, %broadcast_in_dim3A_444, %broadcast_in_dim3A_445 : vector<1x15xi1>, vector<1x15xi32>
    %add3A_447 = arith.addi %add3A_437, %select_n3A_446 : vector<1x15xi32>
    %sub3A_448 = arith.subi %iota3A_240, %add3A_447 : vector<1x15xi32>
    %add3A_449 = arith.addi %add3A_365, %sub3A_448 : vector<1x15xi32>
    %jit3A_450 = arith.constant 0 : i32
    %jit3A_451 = arith.constant 7 : i32
    %max3A = vector.broadcast %jit3A_450 : i32 to vector<1x15xi32>
    %max3A_452 = arith.maxsi %max3A, %add3A_449 : vector<1x15xi32>
    %min3A_453 = vector.broadcast %jit3A_451 : i32 to vector<1x15xi32>
    %min3A_454 = arith.minsi %min3A_453, %max3A_452 : vector<1x15xi32>
    %broadcast_in_dim3A_455 = arith.constant 0 : i32
    %broadcast_in_dim3A_456 = vector.broadcast %broadcast_in_dim3A_455 : i32 to vector<1x15xi32>
    %eq3A_457 = arith.constant 0 : i32
    %eq3A_458 = vector.broadcast %eq3A_457 : i32 to vector<1x15xi32>
    %eq3A_459 = arith.cmpi eq, %min3A_283, %eq3A_458 : vector<1x15xi32>
    %slice3A_460 = vector.extract_strided_slice %convert_element_type3A_123 {offsets = [0, 0], sizes = [1, 1], strides = [1, 1]} : vector<1x8xi32> to vector<1x1xi32>
    %jit3A_461 = arith.constant 0 : i32
    %broadcast_in_dim3A_462 = vector.shape_cast %slice3A_460 : vector<1x1xi32> to vector<1x1xi32>
    %broadcast_in_dim3A_463 = vector.broadcast %broadcast_in_dim3A_462 : vector<1x1xi32> to vector<1x15xi32>
    %broadcast_in_dim3A_464 = vector.broadcast %jit3A_461 : i32 to vector<1x15xi32>
    %select_n3A_465 = arith.select %eq3A_459, %broadcast_in_dim3A_463, %broadcast_in_dim3A_464 : vector<1x15xi1>, vector<1x15xi32>
    %add3A_466 = arith.addi %broadcast_in_dim3A_456, %select_n3A_465 : vector<1x15xi32>
    %eq3A_467 = arith.constant 1 : i32
    %eq3A_468 = vector.broadcast %eq3A_467 : i32 to vector<1x15xi32>
    %eq3A_469 = arith.cmpi eq, %min3A_283, %eq3A_468 : vector<1x15xi32>
    %slice3A_470 = vector.extract_strided_slice %convert_element_type3A_123 {offsets = [0, 1], sizes = [1, 1], strides = [1, 1]} : vector<1x8xi32> to vector<1x1xi32>
    %jit3A_471 = arith.constant 0 : i32
    %broadcast_in_dim3A_472 = vector.shape_cast %slice3A_470 : vector<1x1xi32> to vector<1x1xi32>
    %broadcast_in_dim3A_473 = vector.broadcast %broadcast_in_dim3A_472 : vector<1x1xi32> to vector<1x15xi32>
    %broadcast_in_dim3A_474 = vector.broadcast %jit3A_471 : i32 to vector<1x15xi32>
    %select_n3A_475 = arith.select %eq3A_469, %broadcast_in_dim3A_473, %broadcast_in_dim3A_474 : vector<1x15xi1>, vector<1x15xi32>
    %add3A_476 = arith.addi %add3A_466, %select_n3A_475 : vector<1x15xi32>
    %eq3A_477 = arith.constant 2 : i32
    %eq3A_478 = vector.broadcast %eq3A_477 : i32 to vector<1x15xi32>
    %eq3A_479 = arith.cmpi eq, %min3A_283, %eq3A_478 : vector<1x15xi32>
    %slice3A_480 = vector.extract_strided_slice %convert_element_type3A_123 {offsets = [0, 2], sizes = [1, 1], strides = [1, 1]} : vector<1x8xi32> to vector<1x1xi32>
    %jit3A_481 = arith.constant 0 : i32
    %broadcast_in_dim3A_482 = vector.shape_cast %slice3A_480 : vector<1x1xi32> to vector<1x1xi32>
    %broadcast_in_dim3A_483 = vector.broadcast %broadcast_in_dim3A_482 : vector<1x1xi32> to vector<1x15xi32>
    %broadcast_in_dim3A_484 = vector.broadcast %jit3A_481 : i32 to vector<1x15xi32>
    %select_n3A_485 = arith.select %eq3A_479, %broadcast_in_dim3A_483, %broadcast_in_dim3A_484 : vector<1x15xi1>, vector<1x15xi32>
    %add3A_486 = arith.addi %add3A_476, %select_n3A_485 : vector<1x15xi32>
    %eq3A_487 = arith.constant 3 : i32
    %eq3A_488 = vector.broadcast %eq3A_487 : i32 to vector<1x15xi32>
    %eq3A_489 = arith.cmpi eq, %min3A_283, %eq3A_488 : vector<1x15xi32>
    %slice3A_490 = vector.extract_strided_slice %convert_element_type3A_123 {offsets = [0, 3], sizes = [1, 1], strides = [1, 1]} : vector<1x8xi32> to vector<1x1xi32>
    %jit3A_491 = arith.constant 0 : i32
    %broadcast_in_dim3A_492 = vector.shape_cast %slice3A_490 : vector<1x1xi32> to vector<1x1xi32>
    %broadcast_in_dim3A_493 = vector.broadcast %broadcast_in_dim3A_492 : vector<1x1xi32> to vector<1x15xi32>
    %broadcast_in_dim3A_494 = vector.broadcast %jit3A_491 : i32 to vector<1x15xi32>
    %select_n3A_495 = arith.select %eq3A_489, %broadcast_in_dim3A_493, %broadcast_in_dim3A_494 : vector<1x15xi1>, vector<1x15xi32>
    %add3A_496 = arith.addi %add3A_486, %select_n3A_495 : vector<1x15xi32>
    %eq3A_497 = arith.constant 4 : i32
    %eq3A_498 = vector.broadcast %eq3A_497 : i32 to vector<1x15xi32>
    %eq3A_499 = arith.cmpi eq, %min3A_283, %eq3A_498 : vector<1x15xi32>
    %slice3A_500 = vector.extract_strided_slice %convert_element_type3A_123 {offsets = [0, 4], sizes = [1, 1], strides = [1, 1]} : vector<1x8xi32> to vector<1x1xi32>
    %jit3A_501 = arith.constant 0 : i32
    %broadcast_in_dim3A_502 = vector.shape_cast %slice3A_500 : vector<1x1xi32> to vector<1x1xi32>
    %broadcast_in_dim3A_503 = vector.broadcast %broadcast_in_dim3A_502 : vector<1x1xi32> to vector<1x15xi32>
    %broadcast_in_dim3A_504 = vector.broadcast %jit3A_501 : i32 to vector<1x15xi32>
    %select_n3A_505 = arith.select %eq3A_499, %broadcast_in_dim3A_503, %broadcast_in_dim3A_504 : vector<1x15xi1>, vector<1x15xi32>
    %add3A_506 = arith.addi %add3A_496, %select_n3A_505 : vector<1x15xi32>
    %eq3A_507 = arith.constant 5 : i32
    %eq3A_508 = vector.broadcast %eq3A_507 : i32 to vector<1x15xi32>
    %eq3A_509 = arith.cmpi eq, %min3A_283, %eq3A_508 : vector<1x15xi32>
    %slice3A_510 = vector.extract_strided_slice %convert_element_type3A_123 {offsets = [0, 5], sizes = [1, 1], strides = [1, 1]} : vector<1x8xi32> to vector<1x1xi32>
    %jit3A_511 = arith.constant 0 : i32
    %broadcast_in_dim3A_512 = vector.shape_cast %slice3A_510 : vector<1x1xi32> to vector<1x1xi32>
    %broadcast_in_dim3A_513 = vector.broadcast %broadcast_in_dim3A_512 : vector<1x1xi32> to vector<1x15xi32>
    %broadcast_in_dim3A_514 = vector.broadcast %jit3A_511 : i32 to vector<1x15xi32>
    %select_n3A_515 = arith.select %eq3A_509, %broadcast_in_dim3A_513, %broadcast_in_dim3A_514 : vector<1x15xi1>, vector<1x15xi32>
    %add3A_516 = arith.addi %add3A_506, %select_n3A_515 : vector<1x15xi32>
    %eq3A_517 = arith.constant 6 : i32
    %eq3A_518 = vector.broadcast %eq3A_517 : i32 to vector<1x15xi32>
    %eq3A_519 = arith.cmpi eq, %min3A_283, %eq3A_518 : vector<1x15xi32>
    %slice3A_520 = vector.extract_strided_slice %convert_element_type3A_123 {offsets = [0, 6], sizes = [1, 1], strides = [1, 1]} : vector<1x8xi32> to vector<1x1xi32>
    %jit3A_521 = arith.constant 0 : i32
    %broadcast_in_dim3A_522 = vector.shape_cast %slice3A_520 : vector<1x1xi32> to vector<1x1xi32>
    %broadcast_in_dim3A_523 = vector.broadcast %broadcast_in_dim3A_522 : vector<1x1xi32> to vector<1x15xi32>
    %broadcast_in_dim3A_524 = vector.broadcast %jit3A_521 : i32 to vector<1x15xi32>
    %select_n3A_525 = arith.select %eq3A_519, %broadcast_in_dim3A_523, %broadcast_in_dim3A_524 : vector<1x15xi1>, vector<1x15xi32>
    %add3A_526 = arith.addi %add3A_516, %select_n3A_525 : vector<1x15xi32>
    %eq3A_527 = arith.constant 7 : i32
    %eq3A_528 = vector.broadcast %eq3A_527 : i32 to vector<1x15xi32>
    %eq3A_529 = arith.cmpi eq, %min3A_283, %eq3A_528 : vector<1x15xi32>
    %slice3A_530 = vector.extract_strided_slice %convert_element_type3A_123 {offsets = [0, 7], sizes = [1, 1], strides = [1, 1]} : vector<1x8xi32> to vector<1x1xi32>
    %jit3A_531 = arith.constant 0 : i32
    %broadcast_in_dim3A_532 = vector.shape_cast %slice3A_530 : vector<1x1xi32> to vector<1x1xi32>
    %broadcast_in_dim3A_533 = vector.broadcast %broadcast_in_dim3A_532 : vector<1x1xi32> to vector<1x15xi32>
    %broadcast_in_dim3A_534 = vector.broadcast %jit3A_531 : i32 to vector<1x15xi32>
    %select_n3A_535 = arith.select %eq3A_529, %broadcast_in_dim3A_533, %broadcast_in_dim3A_534 : vector<1x15xi1>, vector<1x15xi32>
    %add3A_536 = arith.addi %add3A_526, %select_n3A_535 : vector<1x15xi32>
    %mul3A = arith.constant 512 : i32
    %mul3A_537 = vector.broadcast %mul3A : i32 to vector<1x15xi32>
    %mul3A_538 = arith.muli %min3A_454, %mul3A_537 : vector<1x15xi32>
    %max3A_539 = arith.maxsi %add3A_536, %mul3A_538 : vector<1x15xi32>
    %broadcast_in_dim3A_540 = arith.constant 0 : i32
    %broadcast_in_dim3A_541 = vector.broadcast %broadcast_in_dim3A_540 : i32 to vector<1x15xi32>
    %eq3A_542 = arith.constant 0 : i32
    %eq3A_543 = vector.broadcast %eq3A_542 : i32 to vector<1x15xi32>
    %eq3A_544 = arith.cmpi eq, %min3A_283, %eq3A_543 : vector<1x15xi32>
    %slice3A_545 = vector.extract_strided_slice %convert_element_type3A_124 {offsets = [0, 0], sizes = [1, 1], strides = [1, 1]} : vector<1x8xi32> to vector<1x1xi32>
    %jit3A_546 = arith.constant 0 : i32
    %broadcast_in_dim3A_547 = vector.shape_cast %slice3A_545 : vector<1x1xi32> to vector<1x1xi32>
    %broadcast_in_dim3A_548 = vector.broadcast %broadcast_in_dim3A_547 : vector<1x1xi32> to vector<1x15xi32>
    %broadcast_in_dim3A_549 = vector.broadcast %jit3A_546 : i32 to vector<1x15xi32>
    %select_n3A_550 = arith.select %eq3A_544, %broadcast_in_dim3A_548, %broadcast_in_dim3A_549 : vector<1x15xi1>, vector<1x15xi32>
    %add3A_551 = arith.addi %broadcast_in_dim3A_541, %select_n3A_550 : vector<1x15xi32>
    %eq3A_552 = arith.constant 1 : i32
    %eq3A_553 = vector.broadcast %eq3A_552 : i32 to vector<1x15xi32>
    %eq3A_554 = arith.cmpi eq, %min3A_283, %eq3A_553 : vector<1x15xi32>
    %slice3A_555 = vector.extract_strided_slice %convert_element_type3A_124 {offsets = [0, 1], sizes = [1, 1], strides = [1, 1]} : vector<1x8xi32> to vector<1x1xi32>
    %jit3A_556 = arith.constant 0 : i32
    %broadcast_in_dim3A_557 = vector.shape_cast %slice3A_555 : vector<1x1xi32> to vector<1x1xi32>
    %broadcast_in_dim3A_558 = vector.broadcast %broadcast_in_dim3A_557 : vector<1x1xi32> to vector<1x15xi32>
    %broadcast_in_dim3A_559 = vector.broadcast %jit3A_556 : i32 to vector<1x15xi32>
    %select_n3A_560 = arith.select %eq3A_554, %broadcast_in_dim3A_558, %broadcast_in_dim3A_559 : vector<1x15xi1>, vector<1x15xi32>
    %add3A_561 = arith.addi %add3A_551, %select_n3A_560 : vector<1x15xi32>
    %eq3A_562 = arith.constant 2 : i32
    %eq3A_563 = vector.broadcast %eq3A_562 : i32 to vector<1x15xi32>
    %eq3A_564 = arith.cmpi eq, %min3A_283, %eq3A_563 : vector<1x15xi32>
    %slice3A_565 = vector.extract_strided_slice %convert_element_type3A_124 {offsets = [0, 2], sizes = [1, 1], strides = [1, 1]} : vector<1x8xi32> to vector<1x1xi32>
    %jit3A_566 = arith.constant 0 : i32
    %broadcast_in_dim3A_567 = vector.shape_cast %slice3A_565 : vector<1x1xi32> to vector<1x1xi32>
    %broadcast_in_dim3A_568 = vector.broadcast %broadcast_in_dim3A_567 : vector<1x1xi32> to vector<1x15xi32>
    %broadcast_in_dim3A_569 = vector.broadcast %jit3A_566 : i32 to vector<1x15xi32>
    %select_n3A_570 = arith.select %eq3A_564, %broadcast_in_dim3A_568, %broadcast_in_dim3A_569 : vector<1x15xi1>, vector<1x15xi32>
    %add3A_571 = arith.addi %add3A_561, %select_n3A_570 : vector<1x15xi32>
    %eq3A_572 = arith.constant 3 : i32
    %eq3A_573 = vector.broadcast %eq3A_572 : i32 to vector<1x15xi32>
    %eq3A_574 = arith.cmpi eq, %min3A_283, %eq3A_573 : vector<1x15xi32>
    %slice3A_575 = vector.extract_strided_slice %convert_element_type3A_124 {offsets = [0, 3], sizes = [1, 1], strides = [1, 1]} : vector<1x8xi32> to vector<1x1xi32>
    %jit3A_576 = arith.constant 0 : i32
    %broadcast_in_dim3A_577 = vector.shape_cast %slice3A_575 : vector<1x1xi32> to vector<1x1xi32>
    %broadcast_in_dim3A_578 = vector.broadcast %broadcast_in_dim3A_577 : vector<1x1xi32> to vector<1x15xi32>
    %broadcast_in_dim3A_579 = vector.broadcast %jit3A_576 : i32 to vector<1x15xi32>
    %select_n3A_580 = arith.select %eq3A_574, %broadcast_in_dim3A_578, %broadcast_in_dim3A_579 : vector<1x15xi1>, vector<1x15xi32>
    %add3A_581 = arith.addi %add3A_571, %select_n3A_580 : vector<1x15xi32>
    %eq3A_582 = arith.constant 4 : i32
    %eq3A_583 = vector.broadcast %eq3A_582 : i32 to vector<1x15xi32>
    %eq3A_584 = arith.cmpi eq, %min3A_283, %eq3A_583 : vector<1x15xi32>
    %slice3A_585 = vector.extract_strided_slice %convert_element_type3A_124 {offsets = [0, 4], sizes = [1, 1], strides = [1, 1]} : vector<1x8xi32> to vector<1x1xi32>
    %jit3A_586 = arith.constant 0 : i32
    %broadcast_in_dim3A_587 = vector.shape_cast %slice3A_585 : vector<1x1xi32> to vector<1x1xi32>
    %broadcast_in_dim3A_588 = vector.broadcast %broadcast_in_dim3A_587 : vector<1x1xi32> to vector<1x15xi32>
    %broadcast_in_dim3A_589 = vector.broadcast %jit3A_586 : i32 to vector<1x15xi32>
    %select_n3A_590 = arith.select %eq3A_584, %broadcast_in_dim3A_588, %broadcast_in_dim3A_589 : vector<1x15xi1>, vector<1x15xi32>
    %add3A_591 = arith.addi %add3A_581, %select_n3A_590 : vector<1x15xi32>
    %eq3A_592 = arith.constant 5 : i32
    %eq3A_593 = vector.broadcast %eq3A_592 : i32 to vector<1x15xi32>
    %eq3A_594 = arith.cmpi eq, %min3A_283, %eq3A_593 : vector<1x15xi32>
    %slice3A_595 = vector.extract_strided_slice %convert_element_type3A_124 {offsets = [0, 5], sizes = [1, 1], strides = [1, 1]} : vector<1x8xi32> to vector<1x1xi32>
    %jit3A_596 = arith.constant 0 : i32
    %broadcast_in_dim3A_597 = vector.shape_cast %slice3A_595 : vector<1x1xi32> to vector<1x1xi32>
    %broadcast_in_dim3A_598 = vector.broadcast %broadcast_in_dim3A_597 : vector<1x1xi32> to vector<1x15xi32>
    %broadcast_in_dim3A_599 = vector.broadcast %jit3A_596 : i32 to vector<1x15xi32>
    %select_n3A_600 = arith.select %eq3A_594, %broadcast_in_dim3A_598, %broadcast_in_dim3A_599 : vector<1x15xi1>, vector<1x15xi32>
    %add3A_601 = arith.addi %add3A_591, %select_n3A_600 : vector<1x15xi32>
    %eq3A_602 = arith.constant 6 : i32
    %eq3A_603 = vector.broadcast %eq3A_602 : i32 to vector<1x15xi32>
    %eq3A_604 = arith.cmpi eq, %min3A_283, %eq3A_603 : vector<1x15xi32>
    %slice3A_605 = vector.extract_strided_slice %convert_element_type3A_124 {offsets = [0, 6], sizes = [1, 1], strides = [1, 1]} : vector<1x8xi32> to vector<1x1xi32>
    %jit3A_606 = arith.constant 0 : i32
    %broadcast_in_dim3A_607 = vector.shape_cast %slice3A_605 : vector<1x1xi32> to vector<1x1xi32>
    %broadcast_in_dim3A_608 = vector.broadcast %broadcast_in_dim3A_607 : vector<1x1xi32> to vector<1x15xi32>
    %broadcast_in_dim3A_609 = vector.broadcast %jit3A_606 : i32 to vector<1x15xi32>
    %select_n3A_610 = arith.select %eq3A_604, %broadcast_in_dim3A_608, %broadcast_in_dim3A_609 : vector<1x15xi1>, vector<1x15xi32>
    %add3A_611 = arith.addi %add3A_601, %select_n3A_610 : vector<1x15xi32>
    %eq3A_612 = arith.constant 7 : i32
    %eq3A_613 = vector.broadcast %eq3A_612 : i32 to vector<1x15xi32>
    %eq3A_614 = arith.cmpi eq, %min3A_283, %eq3A_613 : vector<1x15xi32>
    %slice3A_615 = vector.extract_strided_slice %convert_element_type3A_124 {offsets = [0, 7], sizes = [1, 1], strides = [1, 1]} : vector<1x8xi32> to vector<1x1xi32>
    %jit3A_616 = arith.constant 0 : i32
    %broadcast_in_dim3A_617 = vector.shape_cast %slice3A_615 : vector<1x1xi32> to vector<1x1xi32>
    %broadcast_in_dim3A_618 = vector.broadcast %broadcast_in_dim3A_617 : vector<1x1xi32> to vector<1x15xi32>
    %broadcast_in_dim3A_619 = vector.broadcast %jit3A_616 : i32 to vector<1x15xi32>
    %select_n3A_620 = arith.select %eq3A_614, %broadcast_in_dim3A_618, %broadcast_in_dim3A_619 : vector<1x15xi1>, vector<1x15xi32>
    %add3A_621 = arith.addi %add3A_611, %select_n3A_620 : vector<1x15xi32>
    %mul3A_622 = arith.constant 512 : i32
    %mul3A_623 = vector.broadcast %mul3A_622 : i32 to vector<1x15xi32>
    %mul3A_624 = arith.muli %min3A_454, %mul3A_623 : vector<1x15xi32>
    %add3A_625 = arith.constant 512 : i32
    %add3A_626 = vector.broadcast %add3A_625 : i32 to vector<1x15xi32>
    %add3A_627 = arith.addi %mul3A_624, %add3A_626 : vector<1x15xi32>
    %min3A_628 = arith.minsi %add3A_621, %add3A_627 : vector<1x15xi32>
    %lt3A = vector.broadcast %slice3A_239 : vector<1x1xi32> to vector<1x15xi32>
    %lt3A_629 = arith.cmpi slt, %iota3A_240, %lt3A : vector<1x15xi32>
    %jit3A_630 = arith.constant 0 : i32
    %broadcast_in_dim3A_631 = vector.broadcast %jit3A_630 : i32 to vector<1x15xi32>
    %select_n3A_632 = arith.select %lt3A_629, %min3A_628, %broadcast_in_dim3A_631 : vector<1x15xi1>, vector<1x15xi32>
    %swap3A_633 = arith.constant 0 : index
    %swap3A_634 = arith.constant 0 : index
    %swap3A_635 = vector.load %arg4[%swap3A_633, %swap3A_634] : memref<1x15xi32, #tpu.memory_space<vmem>>, vector<1x15xi32>
    tpu.vector_store %arg4[%swap3A_633, %swap3A_634], %min3A_283 {strides = array<i32>} : memref<1x15xi32, #tpu.memory_space<vmem>>, vector<1x15xi32>,
    %swap3A_636 = arith.constant 0 : index
    %swap3A_637 = arith.constant 0 : index
    %swap3A_638 = vector.load %arg5[%swap3A_636, %swap3A_637] : memref<1x15xi32, #tpu.memory_space<vmem>>, vector<1x15xi32>
    tpu.vector_store %arg5[%swap3A_636, %swap3A_637], %min3A_454 {strides = array<i32>} : memref<1x15xi32, #tpu.memory_space<vmem>>, vector<1x15xi32>,
    %swap3A_639 = arith.constant 0 : index
    %swap3A_640 = arith.constant 0 : index
    %swap3A_641 = vector.load %arg6[%swap3A_639, %swap3A_640] : memref<1x15xi32, #tpu.memory_space<vmem>>, vector<1x15xi32>
    tpu.vector_store %arg6[%swap3A_639, %swap3A_640], %max3A_539 {strides = array<i32>} : memref<1x15xi32, #tpu.memory_space<vmem>>, vector<1x15xi32>,
    %swap3A_642 = arith.constant 0 : index
    %swap3A_643 = arith.constant 0 : index
    %swap3A_644 = vector.load %arg7[%swap3A_642, %swap3A_643] : memref<1x15xi32, #tpu.memory_space<vmem>>, vector<1x15xi32>
    tpu.vector_store %arg7[%swap3A_642, %swap3A_643], %select_n3A_632 {strides = array<i32>} : memref<1x15xi32, #tpu.memory_space<vmem>>, vector<1x15xi32>,
    return
  }
}

module attributes {stable_mosaic.version = 14 : i64} {
  func.func @_combine_kernel(%arg0: i32, %arg1: memref<512x2xi32, #tpu.memory_space<vmem>>, %arg2: memref<512x2xf32, #tpu.memory_space<vmem>>, %arg3: memref<4096x1024xf32, #tpu.memory_space<vmem>>, %arg4: memref<512x1024xf32, #tpu.memory_space<vmem>>) attributes {dimension_semantics = [#tpu.dimension_semantics<arbitrary>], iteration_bounds = array<i64: 4>, scalar_prefetch = 0 : i64, scratch_operands = 0 : i64, tpu.core_type = #tpu.core_type<tc>, window_params = [{transform_indices = @transform_0, window_bounds = array<i64: 512, 2>}, {transform_indices = @transform_1, window_bounds = array<i64: 512, 2>}, {pipeline_mode = #tpu.pipeline_mode<synchronous>, transform_indices = @transform_2, window_bounds = array<i64: 4096, 1024>}, {transform_indices = @transform_3, window_bounds = array<i64: 512, 1024>}]} {
    %get3A = arith.constant 0 : index
    %get3A_0 = arith.constant 0 : index
    %get3A_1 = vector.load %arg1[%get3A, %get3A_0] : memref<512x2xi32, #tpu.memory_space<vmem>>, vector<512x2xi32>
    %get3A_2 = arith.constant 0 : index
    %get3A_3 = arith.constant 0 : index
    %get3A_4 = vector.load %arg2[%get3A_2, %get3A_3] : memref<512x2xf32, #tpu.memory_space<vmem>>, vector<512x2xf32>
    %iota3A = tpu.iota {dimensions = array<i32: 1>} : vector<512x4096xi32>
    %slice3A = vector.extract_strided_slice %get3A_1 {offsets = [0, 0], sizes = [512, 1], strides = [1, 1]} : vector<512x2xi32> to vector<512x1xi32>
    %eq3A = vector.broadcast %slice3A : vector<512x1xi32> to vector<512x4096xi32>
    %eq3A_5 = arith.cmpi eq, %iota3A, %eq3A : vector<512x4096xi32>
    %slice3A_6 = vector.extract_strided_slice %get3A_4 {offsets = [0, 0], sizes = [512, 1], strides = [1, 1]} : vector<512x2xf32> to vector<512x1xf32>
    %jit3A = arith.constant 0.000000e+00 : f32
    %broadcast_in_dim3A = vector.shape_cast %slice3A_6 : vector<512x1xf32> to vector<512x1xf32>
    %broadcast_in_dim3A_7 = vector.broadcast %broadcast_in_dim3A : vector<512x1xf32> to vector<512x4096xf32>
    %broadcast_in_dim3A_8 = vector.broadcast %jit3A : f32 to vector<512x4096xf32>
    %select_n3A = arith.select %eq3A_5, %broadcast_in_dim3A_7, %broadcast_in_dim3A_8 : vector<512x4096xi1>, vector<512x4096xf32>
    %slice3A_9 = vector.extract_strided_slice %get3A_1 {offsets = [0, 1], sizes = [512, 1], strides = [1, 1]} : vector<512x2xi32> to vector<512x1xi32>
    %eq3A_10 = vector.broadcast %slice3A_9 : vector<512x1xi32> to vector<512x4096xi32>
    %eq3A_11 = arith.cmpi eq, %iota3A, %eq3A_10 : vector<512x4096xi32>
    %slice3A_12 = vector.extract_strided_slice %get3A_4 {offsets = [0, 1], sizes = [512, 1], strides = [1, 1]} : vector<512x2xf32> to vector<512x1xf32>
    %jit3A_13 = arith.constant 0.000000e+00 : f32
    %broadcast_in_dim3A_14 = vector.shape_cast %slice3A_12 : vector<512x1xf32> to vector<512x1xf32>
    %broadcast_in_dim3A_15 = vector.broadcast %broadcast_in_dim3A_14 : vector<512x1xf32> to vector<512x4096xf32>
    %broadcast_in_dim3A_16 = vector.broadcast %jit3A_13 : f32 to vector<512x4096xf32>
    %select_n3A_17 = arith.select %eq3A_11, %broadcast_in_dim3A_15, %broadcast_in_dim3A_16 : vector<512x4096xi1>, vector<512x4096xf32>
    %add3A = arith.addf %select_n3A, %select_n3A_17 : vector<512x4096xf32>
    %get3A_18 = arith.constant 0 : index
    %get3A_19 = arith.constant 0 : index
    %get3A_20 = vector.load %arg3[%get3A_18, %get3A_19] : memref<4096x1024xf32, #tpu.memory_space<vmem>>, vector<4096x1024xf32>
    %dot_general3A = arith.constant dense<0.000000e+00> : vector<512x1024xf32>
    %dot_general3A_21 = tpu.matmul %add3A, %get3A_20, %dot_general3A {dimension_numbers = #tpu.dot_dimension_numbers<[1], [0], [0], [1], [0, 0, 1, 1], [], []>, transpose_lhs_hint = false} : vector<512x4096xf32>, vector<4096x1024xf32>, vector<512x1024xf32> -> vector<512x1024xf32>
    %swap3A = arith.constant 0 : index
    %swap3A_22 = arith.constant 0 : index
    %swap3A_23 = vector.load %arg4[%swap3A, %swap3A_22] : memref<512x1024xf32, #tpu.memory_space<vmem>>, vector<512x1024xf32>
    tpu.vector_store %arg4[%swap3A, %swap3A_22], %dot_general3A_21 {strides = array<i32>} : memref<512x1024xf32, #tpu.memory_space<vmem>>, vector<512x1024xf32>,
    return
  }
  func.func @transform_0(%arg0: i32) -> (i32, i32) {
    %c0_i32 = arith.constant 0 : i32
    %c0_i32_0 = arith.constant 0 : i32
    return %arg0, %c0_i32 : i32, i32
  }
  func.func @transform_1(%arg0: i32) -> (i32, i32) {
    %c0_i32 = arith.constant 0 : i32
    %c0_i32_0 = arith.constant 0 : i32
    return %arg0, %c0_i32 : i32, i32
  }
  func.func @transform_2(%arg0: i32) -> (i32, i32) {
    %c0_i32 = arith.constant 0 : i32
    %c0_i32_0 = arith.constant 0 : i32
    %c0_i32_1 = arith.constant 0 : i32
    return %c0_i32, %c0_i32_0 : i32, i32
  }
  func.func @transform_3(%arg0: i32) -> (i32, i32) {
    %c0_i32 = arith.constant 0 : i32
    %c0_i32_0 = arith.constant 0 : i32
    return %arg0, %c0_i32 : i32, i32
  }
}

</mosaic_0001>

<sc_bundles>
// kernel: kernel.6.cloned.1.call-start
scs
__scs_entry_jumppad:
0x0: {  	(pc) =	sbr.rel $0x88, $3  }
0x1: {  	(tag) =	ssettag $0x0;
	lr =	simm.s32 $0x1  }
0x2: {  	[smem:$0x3F9D] =	sst lr;
	_ =	strace $0xD0000000  }
0x3: {  	_ = 	snop  }
0x4: {  	_ = 	snop  }
0x5: {  	_ = 	snop  }
0x6: {  	_ = 	snop  }
0x7: {  	_ = 	snop  }
__scs_overlays_trampoline_lowered:
0x8: {  	[smem:$0x3FAC] =	sst s0  }
0x9: {  	[smem:$0x3FAD] =	sst s1  }
0xa: {  	[smem:$0x3FAE] =	sst s2  }
0xb: {  	[smem:$0x3FAF] =	sst s3  }
0xc: {  	[smem:$0x3FB0] =	sst s4  }
0xd: {  	[smem:$0x3FB1] =	sst s5  }
0xe: {  	[smem:$0x3FB2] =	sst s6  }
0xf: {  	[smem:$0x3FB3] =	sst s7  }
0x10: {  	[smem:$0x3FB4] =	sst s8  }
0x11: {  	[smem:$0x3FB5] =	sst s9;
	s0 =	simm.s32 @!p0 $0x0  }
0x12: {  	s1 =	sld [smem:$0x3F9B];
	s0 =	simm.s32 @p0 $0x1  }
0x13: {  	[smem:$0x3FB6] =	sst s0;
	s0 =	simm.s32 @!p1 $0x0  }
0x14: {  	s2 =	sld [smem:$0x3F9A];
	s0 =	simm.s32 @p1 $0x1  }
0x15: {  	[smem:$0x3FB7] =	sst s0;
	s0 =	simm.s32 @!p2 $0x0  }
0x16: {  	s3 =	sld [smem:$0x3FDB];
	s0 =	simm.s32 @p2 $0x1  }
0x17: {  	s4 =	simm.s32 $0x1BF5;
	[smem:$0x3FB9] =	sst s0  }
0x18: {  	s0 =	sld [smem:$0x3F9C];
	_ =	swait.ge [sflag:s4], $0x0  }
0x19: {  	s7 =	sld [smem:$0x3F9D]  }
0x1a: {  	s8 =	sadd.s32 $0xFFFFE003, lr  }
0x1b: {  	s9 =	sadd.s32 $0xFFFFFEF7, lr;
	s5 =	simm.s32 $0xFFFFFFFF;
	p2 =	slt.u32 s8, $0xFFFFF086  }
0x1c: {  	p1 =	slt.u32 s9, $0xF7A;
	s5 =	simm.s32 @!p2 $0x0  }
0x1d: {  	s5 =	simm.s32 @p1 $0x1;
	p0 =	seq.s32 s7, s2  }
0x1e: {  	s7 =	smul.u32 @!p0 $0xF7A, s2;
	p2 =	seq.s32 @!p0 s5, $0x0  }
0x1f: {  	s9 =	smul.u32 $0xF7A, s1;
	s8 =	simm.s32 @!p0 $0x1BF5;
	p2 =	por !p2, p0  }
0x20: {  	[sflag:s8] =	ssyncset.s32 @!p0 $0xFFFFF086;
	s6 =	sadd.s32 @!p0 s3, s7;
	s7 =	simm.s32 @!p0 $0x108  }
0x21: {  	s3 =	sadd.s32 s3, s9;
	s6 =	sadd.s32 @!p0 $0x88, s6;
	s7 =	simm.s32 @p2 $0x1082  }
0x22: {  	[simem:s7], [sflag:s8] =	dma.local @!p0 [hbm:s6], $0xF7A  }
0x23: {  	s9 =	sor.u32 $0xD0000000, s2;
	s6 =	simm.s32 $0x108;
	_ =	swait.ge @!p0 [sflag:s8], $0x0  }
0x24: {  	s3 =	sadd.s32 $0x88, s3;
	s6 =	simm.s32 @!p1 $0x1082;
	[sflag:s4] =	ssyncset.s32 $0xFFFFF086  }
0x25: {  	[simem:s6], [sflag:s4] =	dma.local [hbm:s3], $0xF7A  }
0x26: {  	[smem:$0x3F9D] =	sst s1;
	(tag) =	ssettag s2;
	_ =	strace s9  }
0x27: {  	s1 =	sld [smem:$0x3FAD]  }
0x28: {  	s2 =	sld [smem:$0x3FAE]  }
0x29: {  	s4 =	sld [smem:$0x3FB0]  }
0x2a: {  	p0 =	seq.s32 s5, $0x0;
	s5 =	sld [smem:$0x3FB1]  }
0x2b: {  	s6 =	sld [smem:$0x3FB2]  }
0x2c: {  	s7 =	sld [smem:$0x3FB3]  }
0x2d: {  	s3 =	simm.s32 $0x108;
	s8 =	sld [smem:$0x3FB4]  }
0x2e: {  	s3 =	simm.s32 @!p0 $0x1082;
	s9 =	sld [smem:$0x3FB5]  }
0x2f: {  	lr =	sadd.s32 s0, s3;
	s0 =	sld [smem:$0x3FAC]  }
0x30: {  	s3 =	sld [smem:$0x3FAF]  }
0x31: {  	[smem:$0x3FB8] =	sst s10  }
0x32: {  	s10 =	sld [smem:$0x3FB6];
	_ =	sdelay $0x3  }
0x33: {  	p0 =	seq.s32 s10, $0x1;
	s10 =	sld [smem:$0x3FB8];
	_ =	sdelay $0x3  }
0x34: {  	[smem:$0x3FB8] =	sst s10  }
0x35: {  	s10 =	sld [smem:$0x3FB7];
	_ =	sdelay $0x3  }
0x36: {  	p1 =	seq.s32 s10, $0x1;
	s10 =	sld [smem:$0x3FB8];
	_ =	sdelay $0x3  }
0x37: {  	[smem:$0x3FB8] =	sst s10  }
0x38: {  	s10 =	sld [smem:$0x3FB9]  }
0x39: {  	_ = 	snop;
	(pc) =	sbr.ind lr, $3  }
0x3a: {  	_ = 	snop  }
0x3b: {  	_ = 	snop  }
0x3c: {  	p2 =	seq.s32 s10, $0x1;
	s10 =	sld [smem:$0x3FB8]  }
0x3d: {  	_ =	shalt  }
0x3e: {  	_ =	shalt  }
0x3f: {  	_ =	shalt  }
0x40: {  	_ =	shalt  }
0x41: {  	_ =	shalt  }
0x42: {  	_ =	shalt  }
0x43: {  	_ =	shalt  }
0x44: {  	_ =	shalt  }
0x45: {  	_ =	shalt  }
0x46: {  	_ =	shalt  }
0x47: {  	_ =	shalt  }
0x48: {  	_ =	shalt  }
0x49: {  	_ =	shalt  }
0x4a: {  	_ =	shalt  }
0x4b: {  	_ =	shalt  }
0x4c: {  	_ =	shalt  }
0x4d: {  	_ =	shalt  }
0x4e: {  	_ =	shalt  }
0x4f: {  	_ =	shalt  }
0x50: {  	_ =	shalt  }
0x51: {  	_ =	shalt  }
0x52: {  	_ =	shalt  }
0x53: {  	_ =	shalt  }
0x54: {  	_ =	shalt  }
0x55: {  	_ =	shalt  }
0x56: {  	_ =	shalt  }
0x57: {  	_ =	shalt  }
0x58: {  	_ =	shalt  }
0x59: {  	_ =	shalt  }
0x5a: {  	_ =	shalt  }
0x5b: {  	_ =	shalt  }
0x5c: {  	_ =	shalt  }
0x5d: {  	_ =	shalt  }
0x5e: {  	_ =	shalt  }
0x5f: {  	_ =	shalt  }
0x60: {  	_ =	shalt  }
0x61: {  	_ =	shalt  }
0x62: {  	_ =	shalt  }
0x63: {  	_ =	shalt  }
0x64: {  	_ =	shalt  }
0x65: {  	_ =	shalt  }
0x66: {  	_ =	shalt  }
0x67: {  	_ =	shalt  }
0x68: {  	_ =	shalt  }
0x69: {  	_ =	shalt  }
0x6a: {  	_ =	shalt  }
0x6b: {  	_ =	shalt  }
0x6c: {  	_ =	shalt  }
0x6d: {  	_ =	shalt  }
0x6e: {  	_ =	shalt  }
0x6f: {  	_ =	shalt  }
0x70: {  	_ =	shalt  }
0x71: {  	_ =	shalt  }
0x72: {  	_ =	shalt  }
0x73: {  	_ =	shalt  }
0x74: {  	_ =	shalt  }
0x75: {  	_ =	shalt  }
0x76: {  	_ =	shalt  }
0x77: {  	_ =	shalt  }
0x78: {  	_ =	shalt  }
0x79: {  	_ =	shalt  }
0x7a: {  	_ =	shalt  }
0x7b: {  	_ =	shalt  }
0x7c: {  	_ =	shalt  }
0x7d: {  	_ =	shalt  }
0x7e: {  	_ =	shalt  }
0x7f: {  	_ =	shalt  }
0x80: {  	_ =	shalt  }
0x81: {  	_ =	shalt  }
0x82: {  	_ =	shalt  }
0x83: {  	_ =	shalt  }
0x84: {  	_ =	shalt  }
0x85: {  	_ =	shalt  }
0x86: {  	_ =	shalt  }
0x87: {  	_ =	shalt  }
.Lfunc_end0:
.L_simem_size_0:
called_computation_lowered:
.L_overlay_start_0:
0x88: {  	s2 =	sld [smem:$0x3FD9]  }
0x89: {  	s3 =	sld [smem:$0x3FFE];
	_ =	sdelay $0x1  }
0x8a: {  	s1 =	srdreg.scid  }
0x8b: {  	s0 =	sand.u32 $0x1, s1  }
0x8c: {  	s17 =	sshll.u32 s0, $0xA;
	s2 =	sadd.s32 s3, s2  }
0x8d: {  	s2 =	sadd.s32 s2, s17  }
0x8e: {  	[smem:$0x3FC4] =	sst s2  }
0x8f: {  	_ = 	snop  }
0x90: {  	s2 =	sld [smem:$0x3FC9];
	(tm) =	ssettm $0x1  }
0x91: {  	s18 =	sld [smem:$0x3FFB];
	_ =	sdelay $0x3  }
0x92: {  	_ =	strace s18  }
0x93: {  	s3 =	sld [smem:$0x3FFC];
	_ =	sdelay $0x3  }
0x94: {  	_ =	strace s3  }
0x95: {  	s3 =	sld [smem:$0x3FFD];
	_ =	sdelay $0x3  }
0x96: {  	_ =	strace s3  }
0x97: {  	_ =	strace $0x8FFFFFFF  }
0x98: {  	s19 =	sld [smem:$0x3FDB];
	_ =	sdelay $0x1  }
0x99: {  	s4 =	simm.s32 $_scs_section_size  }
0x9a: {  	s5 =	simm.s32 $_size__tile_overlayer_lowered;
	s6 =	simm.s32 $_tile_overlayer_lowered  }
0x9b: {  	s22 =	simm.s32 $0x1BFF;
	s21 =	sshll.u32 s6, $0x1;
	s3 =	sadd.s32 s4, s19  }
0x9c: {  	s7 =	simm.s32 $0x0;
	s20 =	sshll.u32 s5, $0x1;
	s5 =	sadd.s32 s21, s3  }
0x9d: {  	[timem:s7], [sflag:s22] =	dma.local [hbm:s5], s20  }
0x9e: {  	_ =	swait.ge [sflag:s22], s20  }
0x9f: {  	s4 =	ssub.s32 $0x0, s20;
	[sflag:s22] =	ssyncset.done $0x0  }
0xa0: {  	[sflag:s22] =	ssyncadd.s32 s4;
	_ =	sdelay $0x1  }
0xa1: {  	s23 =	simm.s32 $0x1B8B  }
0xa2: {  	_ =	swait.ge [sflag:s23], $0x1  }
0xa3: {  	[sflag:s23] =	ssyncset.done $0x0  }
0xa4: {  	s25 =	simm.s32 $0x1B8E;
	s24 =	sld [smem:$0x3FFE];
	[sflag:s23] =	ssyncadd.s32 $0xFFFFFFFF  }
0xa5: {  	s26 =	simm.s32 $execute0_lowered;
	[smem:$0x3FD2] =	sst s25  }
0xa6: {  	s5 =	sshll.u32 s26, $0x1;
	_ =	strace $0x80000046;
	[dreg:$0x1] =	wrdreg $0xFFFFFFFF  }
0xa7: {  	s28 =	simm.s32 $_size_execute0_lowered;
	s3 =	sadd.s32 s3, s5;
	[dreg:$0x0] =	wrdreg $0x0  }
0xa8: {  	s5 =	sshll.u32 s28, $0x1;
	[dreg:$0x2] =	wrdreg s3  }
0xa9: {  	[dreg:$0x3] =	wrdreg s5  }
0xaa: {  	[dreg:$0x4] =	wrdreg $0xC0  }
0xab: {  	_ =	task [dreg:s7], $0x5FFFF  }
0xac: {  	[dreg:$0x1] =	wrdreg $0xFFFFFFFF  }
0xad: {  	[dreg:$0x0] =	wrdreg $0x60  }
0xae: {  	[dreg:$0x2] =	wrdreg s2  }
0xaf: {  	[dreg:$0x3] =	wrdreg s24  }
0xb0: {  	[dreg:$0x4] =	wrdreg $0x9  }
0xb1: {  	_ =	task.clear_ibuf [dreg:s7], $0x5FFFF;
	_ =	strace $0x90000046  }
0xb2: {  	s29 =	simm.s32 $0x9;
	_ =	strace $0x80000048  }
0xb3: {  	_ =	swait.ge [sflag:s29], $0x1  }
0xb4: {  	[sflag:s29] =	ssyncadd.s32 $0xFFFFFFFF  }
0xb5: {  	_ =	strace $0x90000048  }
0xb6: {  	_ =	sfence  }
0xb7: {  	s30 =	sld [smem:$0x0];
	_ =	sdelay $0x2  }
0xb8: {  	s31 =	sshll.u32 s1, $0xD;
	s1 =	sshrl.u32 s1, $0x2  }
0xb9: {  	s3 =	sand.u32 $0x4000, s31;
	s1 =	sadd.s32 s1, s30  }
0xba: {  	s0 =	sor.u32 s3, s0;
	s1 =	sshll.u32 s1, $0x11  }
0xbb: {  	s0 =	sor.u32 s1, s0  }
0xbc: {  	s0 =	sadd.s32 $0x8F2B, s0  }
0xbd: {  	[sflag:s0] =	ssyncadd.remote.s32 $0x1  }
0xbe: {  	_ =	sfence.sel $0xFFFF  }
0xbf: {  	[dreg:$0x0] =	wrdreg $0xFFFFFFFF;
	(pc) =	sbr.abs _section_cstart, $3  }
0xc0: {  	[dreg:$0x1] =	wrdreg $0xFFFFFFFF  }
0xc1: {  	_ =	task.clear_ibuf [dreg:s7], $0x2FFFF;
	_ =	strace $0x9FFFFFFF  }
0xc2: {  	(tm) =	ssettm $0x7FFFFFFF  }
0xc3: {  	_ =	shalt  }
tec
execute0_lowered:
.L_overlay_start_1:
0x0: {  	(tag) =	ssettag $0x1  }
0x1: {  	s0 =	rddreg [dreg:$0x0];
	s1 =	srdreg.scid  }
0x2: {  	s2 =	stileid.u32;
	s6 =	rddreg [dreg:$0x1]  }
0x3: {  	s26 =	simm.s32 $0x80;
	s8 =	simm.s32 $0x2;
	s18 =	simm.s32 $0x1  }
0x4: {  	s21 =	simm.s32 $0x1900;
	s22 =	simm.s32 $0x2100;
	s23 =	simm.s32 $0x2900  }
0x5: {  	s24 =	simm.s32 $0x3100;
	s28 =	simm.s32 $0x4900;
	s29 =	simm.s32 $0x5100  }
0x6: {  	s30 =	simm.s32 $0x5900;
	s31 =	simm.s32 $0x6100;
	s10 =	simm.s32 $0x7900  }
0x7: {  	s11 =	simm.s32 $0x8100;
	s12 =	simm.s32 $0x8900;
	s13 =	simm.s32 $0x9100  }
0x8: {  	s14 =	simm.s32 $0x9900;
	s15 =	simm.s32 $0xA100;
	s16 =	simm.s32 $0xA900  }
0x9: {  	s1 =	sand.u32 $0x1, s1;
	s3 =	sshll.u32 s2, $0x1;
	s2 =	simm.s32 $0x0  }
0xa: {  	s17 =	simm.s32 $0xB100;
	s4 =	sor.u32 s1, s3;
	[smem:$0x7FF] =	sst s2  }
0xb: {  	s1 =	ssub.s32 $0x2, s1;
	s3 =	sshll.u32 s4, $0x4;
	_ =	strace $0x80000047  }
0xc: {  	s4 =	sshll.u32 s4, $0xD;
	s25 =	sshrl.u32 s1, $0x1;
	[dreg:$0x6] =	wrdreg s26  }
0xd: {  	s26 =	simm.s32 $0x4100;
	s5 =	sadd.s32 s3, s6;
	s0 =	sadd.s32 s0, s4  }
0xe: {  	s3 =	sadd.s32 $0x8E00, s6;
	s7 =	sadd.s32 $0x8C00, s5;
	[dreg:$0x5] =	wrdreg s0  }
0xf: {  	v2 =	vlaneseq.u32;
	s1 =	ssub.s32 s1, s25;
	s5 =	sadd.s32 $0x8A00, s5;
	[dreg:$0x3] =	wrdreg s7  }
0x10: {  	vm0 =	vmmov $0xffff;
	v1 =	vshrl.u32 v2, $0x3;
	s4 =	sadd.s32 $0x8F00, s6;
	s25 =	simm.s32 $0x3900;
	[dreg:$0x4] =	wrdreg s5  }
0x11: {  	v0 =	vand.u32 $0x7, v2;
	v2 =	vor.u32 $0x8, v2;
	v1 =	vmul.u32 $0x8, v1;
	s5 =	sadd.s32 $0x9000, s6;
	s6 =	sadd.s32 $0x9100, s6;
	s7 =	smax.u32 s1, $0x1  }
.LBB2_1:
0x12: {  	s19 =	rddreg [dreg:$0x3]  }
0x13: {  	[tilespmem:s2], [sflag:$0x2] =	stream.linear.gather [hbm4b:s19+s2], $0x80, $0x38;
	[tilespmem:$0x10100] =	vst v63  }
0x14: {  	_ =	swait.ge [sflag:s8], $0x80  }
0x15: {  	s1 =	rddreg [dreg:$0x4];
	[sflag:s8] =	ssyncset.done $0x0  }
0x16: {  	s20 =	rddreg [dreg:$0x6];
	[sflag:s8] =	ssyncadd.s32 $0xFFFFFF80  }
0x17: {  	[tilespmem:s20], [sflag:$0x2] =	stream.linear.gather [hbm4b:s1+s2], $0x80, $0x38;
	[tilespmem:$0x10100] =	vst v63  }
0x18: {  	_ =	swait.ge [sflag:s8], $0x80  }
0x19: {  	[sflag:s8] =	ssyncset.done $0x0  }
0x1a: {  	s0 =	simm.s32 $0x100;
	s9 =	rddreg [dreg:$0x5];
	[sflag:s8] =	ssyncadd.s32 $0xFFFFFF80  }
0x1b: {  	[tilespmem:s0], [sflag:$0x2] =	stream.linear.gather [hbm4b:s9+s2], $0x10000, $0x38;
	[tilespmem:$0x10100] =	vst v63  }
0x1c: {  	_ =	swait.ge [sflag:s8], $0x10000  }
0x1d: {  	[sflag:s8] =	ssyncset.done $0x0  }
0x1e: {  	[sflag:s8] =	ssyncadd.s32 $0xFFFF0000  }
0x1f: {  	v3 =	vld [tilespmem:$0x0];
	_ =	sdelay $0x4  }
0x20: {  	v4 =	vshll.u32 v3, $0x3  }
0x21: {  	v3 =	vand.u32 $0x7, v3;
	v4 =	vand.u32 $0xFFFFFFC0, v4  }
0x22: {  	v3 =	vor.u32 v3, v4  }
0x23: {  	v4 =	vperm.xlane v3, v0;
	_ =	sdelay $0x1  }
0x24: {  	v4 =	vadd.s32 v1, v4;
	_ =	sdelay $0x4  }
0x25: {  	[hbm4b:s3+s2] =	stream.indirect_vreg.scatter [tilespmem:s0], [sflag:$0x1], $0x80, v4, vm0, $0xb8;
	[tilespmem:$0x10100] =	vst v63  }
0x26: {  	s19 =	simm.s32 $0x900;
	v3 =	vperm.xlane v3, v2  }
0x27: {  	[hbm4b:s4+s2] =	stream.indirect_vreg.scatter [tilespmem:s19], [sflag:$0x1], $0x80, v4, vm0, $0xb8;
	[tilespmem:$0x10100] =	vst v63  }
0x28: {  	s20 =	simm.s32 $0x1100;
	v3 =	vadd.s32 v1, v3  }
0x29: {  	[hbm4b:s5+s2] =	stream.indirect_vreg.scatter [tilespmem:s20], [sflag:$0x1], $0x80, v4, vm0, $0xb8;
	[tilespmem:$0x10100] =	vst v63  }
0x2a: {  	_ = 	snop  }
0x2b: {  	[hbm4b:s6+s2] =	stream.indirect_vreg.scatter [tilespmem:s21], [sflag:$0x1], $0x80, v4, vm0, $0xb8;
	[tilespmem:$0x10100] =	vst v63  }
0x2c: {  	_ = 	snop  }
0x2d: {  	[hbm4b:s3+s2] =	stream.indirect_vreg.scatter [tilespmem:s22], [sflag:$0x1], $0x80, v3, vm0, $0xb8;
	[tilespmem:$0x10100] =	vst v63  }
0x2e: {  	_ = 	snop  }
0x2f: {  	[hbm4b:s4+s2] =	stream.indirect_vreg.scatter [tilespmem:s23], [sflag:$0x1], $0x80, v3, vm0, $0xb8;
	[tilespmem:$0x10100] =	vst v63  }
0x30: {  	_ = 	snop  }
0x31: {  	[hbm4b:s5+s2] =	stream.indirect_vreg.scatter [tilespmem:s24], [sflag:$0x1], $0x80, v3, vm0, $0xb8;
	[tilespmem:$0x10100] =	vst v63  }
0x32: {  	_ = 	snop  }
0x33: {  	[hbm4b:s6+s2] =	stream.indirect_vreg.scatter [tilespmem:s25], [sflag:$0x1], $0x80, v3, vm0, $0xb8;
	[tilespmem:$0x10100] =	vst v63  }
0x34: {  	v3 =	vld [tilespmem:$0x10];
	_ =	sdelay $0x4  }
0x35: {  	v57 =	vshll.u32 v3, $0x3  }
0x36: {  	v3 =	vand.u32 $0x7, v3;
	v4 =	vand.u32 $0xFFFFFFC0, v57  }
0x37: {  	v3 =	vor.u32 v3, v4  }
0x38: {  	v4 =	vperm.xlane v3, v0;
	_ =	sdelay $0x1  }
0x39: {  	v4 =	vadd.s32 v1, v4;
	_ =	sdelay $0x4  }
0x3a: {  	[hbm4b:s3+s2] =	stream.indirect_vreg.scatter [tilespmem:s26], [sflag:$0x1], $0x80, v4, vm0, $0xb8;
	[tilespmem:$0x10100] =	vst v63  }
0x3b: {  	v3 =	vperm.xlane v3, v2  }
0x3c: {  	[hbm4b:s4+s2] =	stream.indirect_vreg.scatter [tilespmem:s28], [sflag:$0x1], $0x80, v4, vm0, $0xb8;
	[tilespmem:$0x10100] =	vst v63  }
0x3d: {  	v3 =	vadd.s32 v1, v3  }
0x3e: {  	[hbm4b:s5+s2] =	stream.indirect_vreg.scatter [tilespmem:s29], [sflag:$0x1], $0x80, v4, vm0, $0xb8;
	[tilespmem:$0x10100] =	vst v63  }
0x3f: {  	_ = 	snop  }
0x40: {  	[hbm4b:s6+s2] =	stream.indirect_vreg.scatter [tilespmem:s30], [sflag:$0x1], $0x80, v4, vm0, $0xb8;
	[tilespmem:$0x10100] =	vst v63  }
0x41: {  	_ = 	snop  }
0x42: {  	[hbm4b:s3+s2] =	stream.indirect_vreg.scatter [tilespmem:s31], [sflag:$0x1], $0x80, v3, vm0, $0xb8;
	[tilespmem:$0x10100] =	vst v63  }
0x43: {  	s1 =	simm.s32 $0x6900  }
0x44: {  	[hbm4b:s4+s2] =	stream.indirect_vreg.scatter [tilespmem:s1], [sflag:$0x1], $0x80, v3, vm0, $0xb8;
	[tilespmem:$0x10100] =	vst v63  }
0x45: {  	s9 =	simm.s32 $0x7100  }
0x46: {  	[hbm4b:s5+s2] =	stream.indirect_vreg.scatter [tilespmem:s9], [sflag:$0x1], $0x80, v3, vm0, $0xb8;
	[tilespmem:$0x10100] =	vst v63  }
0x47: {  	_ = 	snop  }
0x48: {  	[hbm4b:s6+s2] =	stream.indirect_vreg.scatter [tilespmem:s10], [sflag:$0x1], $0x80, v3, vm0, $0xb8;
	[tilespmem:$0x10100] =	vst v63  }
0x49: {  	v3 =	vld [tilespmem:$0x20];
	_ =	sdelay $0x4  }
0x4a: {  	v58 =	vshll.u32 v3, $0x3  }
0x4b: {  	v3 =	vand.u32 $0x7, v3;
	v4 =	vand.u32 $0xFFFFFFC0, v58  }
0x4c: {  	v3 =	vor.u32 v3, v4  }
0x4d: {  	v4 =	vperm.xlane v3, v0;
	_ =	sdelay $0x1  }
0x4e: {  	v4 =	vadd.s32 v1, v4;
	_ =	sdelay $0x4  }
0x4f: {  	[hbm4b:s3+s2] =	stream.indirect_vreg.scatter [tilespmem:s11], [sflag:$0x1], $0x80, v4, vm0, $0xb8;
	[tilespmem:$0x10100] =	vst v63  }
0x50: {  	v3 =	vperm.xlane v3, v2  }
0x51: {  	[hbm4b:s4+s2] =	stream.indirect_vreg.scatter [tilespmem:s12], [sflag:$0x1], $0x80, v4, vm0, $0xb8;
	[tilespmem:$0x10100] =	vst v63  }
0x52: {  	v3 =	vadd.s32 v1, v3  }
0x53: {  	[hbm4b:s5+s2] =	stream.indirect_vreg.scatter [tilespmem:s13], [sflag:$0x1], $0x80, v4, vm0, $0xb8;
	[tilespmem:$0x10100] =	vst v63  }
0x54: {  	_ = 	snop  }
0x55: {  	[hbm4b:s6+s2] =	stream.indirect_vreg.scatter [tilespmem:s14], [sflag:$0x1], $0x80, v4, vm0, $0xb8;
	[tilespmem:$0x10100] =	vst v63  }
0x56: {  	_ = 	snop  }
0x57: {  	[hbm4b:s3+s2] =	stream.indirect_vreg.scatter [tilespmem:s15], [sflag:$0x1], $0x80, v3, vm0, $0xb8;
	[tilespmem:$0x10100] =	vst v63  }
0x58: {  	_ = 	snop  }
0x59: {  	[hbm4b:s4+s2] =	stream.indirect_vreg.scatter [tilespmem:s16], [sflag:$0x1], $0x80, v3, vm0, $0xb8;
	[tilespmem:$0x10100] =	vst v63  }
0x5a: {  	_ = 	snop  }
0x5b: {  	[hbm4b:s5+s2] =	stream.indirect_vreg.scatter [tilespmem:s17], [sflag:$0x1], $0x80, v3, vm0, $0xb8;
	[tilespmem:$0x10100] =	vst v63  }
0x5c: {  	s9 =	simm.s32 $0xB900  }
0x5d: {  	[hbm4b:s6+s2] =	stream.indirect_vreg.scatter [tilespmem:s9], [sflag:$0x1], $0x80, v3, vm0, $0xb8;
	[tilespmem:$0x10100] =	vst v63  }
0x5e: {  	v3 =	vld [tilespmem:$0x30];
	_ =	sdelay $0x4  }
0x5f: {  	v59 =	vshll.u32 v3, $0x3  }
0x60: {  	v3 =	vand.u32 $0x7, v3;
	v4 =	vand.u32 $0xFFFFFFC0, v59  }
0x61: {  	v3 =	vor.u32 v3, v4  }
0x62: {  	v4 =	vperm.xlane v3, v0;
	_ =	sdelay $0x1  }
0x63: {  	v4 =	vadd.s32 v1, v4;
	_ =	sdelay $0x3  }
0x64: {  	s1 =	simm.s32 $0xC100  }
0x65: {  	[hbm4b:s3+s2] =	stream.indirect_vreg.scatter [tilespmem:s1], [sflag:$0x1], $0x80, v4, vm0, $0xb8;
	[tilespmem:$0x10100] =	vst v63  }
0x66: {  	v3 =	vperm.xlane v3, v2;
	s1 =	simm.s32 $0xC900  }
0x67: {  	[hbm4b:s4+s2] =	stream.indirect_vreg.scatter [tilespmem:s1], [sflag:$0x1], $0x80, v4, vm0, $0xb8;
	[tilespmem:$0x10100] =	vst v63  }
0x68: {  	v3 =	vadd.s32 v1, v3;
	s1 =	simm.s32 $0xD100  }
0x69: {  	[hbm4b:s5+s2] =	stream.indirect_vreg.scatter [tilespmem:s1], [sflag:$0x1], $0x80, v4, vm0, $0xb8;
	[tilespmem:$0x10100] =	vst v63  }
0x6a: {  	s1 =	simm.s32 $0xD900  }
0x6b: {  	[hbm4b:s6+s2] =	stream.indirect_vreg.scatter [tilespmem:s1], [sflag:$0x1], $0x80, v4, vm0, $0xb8;
	[tilespmem:$0x10100] =	vst v63  }
0x6c: {  	s1 =	simm.s32 $0xE100  }
0x6d: {  	[hbm4b:s3+s2] =	stream.indirect_vreg.scatter [tilespmem:s1], [sflag:$0x1], $0x80, v3, vm0, $0xb8;
	[tilespmem:$0x10100] =	vst v63  }
0x6e: {  	s1 =	simm.s32 $0xE900  }
0x6f: {  	[hbm4b:s4+s2] =	stream.indirect_vreg.scatter [tilespmem:s1], [sflag:$0x1], $0x80, v3, vm0, $0xb8;
	[tilespmem:$0x10100] =	vst v63  }
0x70: {  	s1 =	simm.s32 $0xF100  }
0x71: {  	[hbm4b:s5+s2] =	stream.indirect_vreg.scatter [tilespmem:s1], [sflag:$0x1], $0x80, v3, vm0, $0xb8;
	[tilespmem:$0x10100] =	vst v63  }
0x72: {  	s1 =	simm.s32 $0xF900  }
0x73: {  	[hbm4b:s6+s2] =	stream.indirect_vreg.scatter [tilespmem:s1], [sflag:$0x1], $0x80, v3, vm0, $0xb8;
	[tilespmem:$0x10100] =	vst v63  }
0x74: {  	_ =	swait.ge [sflag:s18], $0x10000  }
0x75: {  	[sflag:s18] =	ssyncset.done $0x0  }
0x76: {  	[sflag:s18] =	ssyncadd.s32 $0xFFFF0000  }
0x77: {  	v3 =	vld [tilespmem:$0x80];
	_ =	sdelay $0x4  }
0x78: {  	v60 =	vshll.u32 v3, $0x3  }
0x79: {  	v3 =	vand.u32 $0x7, v3;
	v4 =	vand.u32 $0xFFFFFFC0, v60  }
0x7a: {  	v3 =	vor.u32 v3, v4  }
0x7b: {  	v4 =	vperm.xlane v3, v0;
	_ =	sdelay $0x1  }
0x7c: {  	v4 =	vadd.s32 v1, v4;
	_ =	sdelay $0x4  }
0x7d: {  	[hbm4b:s3+s2] =	stream.indirect_vreg.scatter [tilespmem:s0], [sflag:$0x1], $0x80, v4, vm0, $0xb8;
	[tilespmem:$0x10100] =	vst v63  }
0x7e: {  	v3 =	vperm.xlane v3, v2  }
0x7f: {  	[hbm4b:s4+s2] =	stream.indirect_vreg.scatter [tilespmem:s19], [sflag:$0x1], $0x80, v4, vm0, $0xb8;
	[tilespmem:$0x10100] =	vst v63  }
0x80: {  	v3 =	vadd.s32 v1, v3  }
0x81: {  	[hbm4b:s5+s2] =	stream.indirect_vreg.scatter [tilespmem:s20], [sflag:$0x1], $0x80, v4, vm0, $0xb8;
	[tilespmem:$0x10100] =	vst v63  }
0x82: {  	_ = 	snop  }
0x83: {  	[hbm4b:s6+s2] =	stream.indirect_vreg.scatter [tilespmem:s21], [sflag:$0x1], $0x80, v4, vm0, $0xb8;
	[tilespmem:$0x10100] =	vst v63  }
0x84: {  	_ = 	snop  }
0x85: {  	[hbm4b:s3+s2] =	stream.indirect_vreg.scatter [tilespmem:s22], [sflag:$0x1], $0x80, v3, vm0, $0xb8;
	[tilespmem:$0x10100] =	vst v63  }
0x86: {  	_ = 	snop  }
0x87: {  	[hbm4b:s4+s2] =	stream.indirect_vreg.scatter [tilespmem:s23], [sflag:$0x1], $0x80, v3, vm0, $0xb8;
	[tilespmem:$0x10100] =	vst v63  }
0x88: {  	_ = 	snop  }
0x89: {  	[hbm4b:s5+s2] =	stream.indirect_vreg.scatter [tilespmem:s24], [sflag:$0x1], $0x80, v3, vm0, $0xb8;
	[tilespmem:$0x10100] =	vst v63  }
0x8a: {  	_ = 	snop  }
0x8b: {  	[hbm4b:s6+s2] =	stream.indirect_vreg.scatter [tilespmem:s25], [sflag:$0x1], $0x80, v3, vm0, $0xb8;
	[tilespmem:$0x10100] =	vst v63  }
0x8c: {  	v3 =	vld [tilespmem:$0x90];
	_ =	sdelay $0x4  }
0x8d: {  	v61 =	vshll.u32 v3, $0x3  }
0x8e: {  	v3 =	vand.u32 $0x7, v3;
	v4 =	vand.u32 $0xFFFFFFC0, v61  }
0x8f: {  	v3 =	vor.u32 v3, v4  }
0x90: {  	v4 =	vperm.xlane v3, v0;
	_ =	sdelay $0x1  }
0x91: {  	v4 =	vadd.s32 v1, v4;
	_ =	sdelay $0x4  }
0x92: {  	[hbm4b:s3+s2] =	stream.indirect_vreg.scatter [tilespmem:s26], [sflag:$0x1], $0x80, v4, vm0, $0xb8;
	[tilespmem:$0x10100] =	vst v63  }
0x93: {  	v3 =	vperm.xlane v3, v2  }
0x94: {  	[hbm4b:s4+s2] =	stream.indirect_vreg.scatter [tilespmem:s28], [sflag:$0x1], $0x80, v4, vm0, $0xb8;
	[tilespmem:$0x10100] =	vst v63  }
0x95: {  	v3 =	vadd.s32 v1, v3  }
0x96: {  	[hbm4b:s5+s2] =	stream.indirect_vreg.scatter [tilespmem:s29], [sflag:$0x1], $0x80, v4, vm0, $0xb8;
	[tilespmem:$0x10100] =	vst v63  }
0x97: {  	_ = 	snop  }
0x98: {  	[hbm4b:s6+s2] =	stream.indirect_vreg.scatter [tilespmem:s30], [sflag:$0x1], $0x80, v4, vm0, $0xb8;
	[tilespmem:$0x10100] =	vst v63  }
0x99: {  	_ = 	snop  }
0x9a: {  	[hbm4b:s3+s2] =	stream.indirect_vreg.scatter [tilespmem:s31], [sflag:$0x1], $0x80, v3, vm0, $0xb8;
	[tilespmem:$0x10100] =	vst v63  }
0x9b: {  	s20 =	simm.s32 $0x6900  }
0x9c: {  	[hbm4b:s4+s2] =	stream.indirect_vreg.scatter [tilespmem:s20], [sflag:$0x1], $0x80, v3, vm0, $0xb8;
	[tilespmem:$0x10100] =	vst v63  }
0x9d: {  	s19 =	simm.s32 $0x7100  }
0x9e: {  	[hbm4b:s5+s2] =	stream.indirect_vreg.scatter [tilespmem:s19], [sflag:$0x1], $0x80, v3, vm0, $0xb8;
	[tilespmem:$0x10100] =	vst v63  }
0x9f: {  	_ = 	snop  }
0xa0: {  	[hbm4b:s6+s2] =	stream.indirect_vreg.scatter [tilespmem:s10], [sflag:$0x1], $0x80, v3, vm0, $0xb8;
	[tilespmem:$0x10100] =	vst v63  }
0xa1: {  	v3 =	vld [tilespmem:$0xA0];
	_ =	sdelay $0x4  }
0xa2: {  	v62 =	vshll.u32 v3, $0x3  }
0xa3: {  	v3 =	vand.u32 $0x7, v3;
	v4 =	vand.u32 $0xFFFFFFC0, v62  }
0xa4: {  	v3 =	vor.u32 v3, v4  }
0xa5: {  	v4 =	vperm.xlane v3, v0;
	_ =	sdelay $0x1  }
0xa6: {  	v4 =	vadd.s32 v1, v4;
	_ =	sdelay $0x4  }
0xa7: {  	[hbm4b:s3+s2] =	stream.indirect_vreg.scatter [tilespmem:s11], [sflag:$0x1], $0x80, v4, vm0, $0xb8;
	[tilespmem:$0x10100] =	vst v63  }
0xa8: {  	v3 =	vperm.xlane v3, v2  }
0xa9: {  	[hbm4b:s4+s2] =	stream.indirect_vreg.scatter [tilespmem:s12], [sflag:$0x1], $0x80, v4, vm0, $0xb8;
	[tilespmem:$0x10100] =	vst v63  }
0xaa: {  	v3 =	vadd.s32 v1, v3  }
0xab: {  	[hbm4b:s5+s2] =	stream.indirect_vreg.scatter [tilespmem:s13], [sflag:$0x1], $0x80, v4, vm0, $0xb8;
	[tilespmem:$0x10100] =	vst v63  }
0xac: {  	_ = 	snop  }
0xad: {  	[hbm4b:s6+s2] =	stream.indirect_vreg.scatter [tilespmem:s14], [sflag:$0x1], $0x80, v4, vm0, $0xb8;
	[tilespmem:$0x10100] =	vst v63  }
0xae: {  	_ = 	snop  }
0xaf: {  	[hbm4b:s3+s2] =	stream.indirect_vreg.scatter [tilespmem:s15], [sflag:$0x1], $0x80, v3, vm0, $0xb8;
	[tilespmem:$0x10100] =	vst v63  }
0xb0: {  	_ = 	snop  }
0xb1: {  	[hbm4b:s4+s2] =	stream.indirect_vreg.scatter [tilespmem:s16], [sflag:$0x1], $0x80, v3, vm0, $0xb8;
	[tilespmem:$0x10100] =	vst v63  }
0xb2: {  	_ = 	snop  }
0xb3: {  	[hbm4b:s5+s2] =	stream.indirect_vreg.scatter [tilespmem:s17], [sflag:$0x1], $0x80, v3, vm0, $0xb8;
	[tilespmem:$0x10100] =	vst v63  }
0xb4: {  	_ = 	snop  }
0xb5: {  	[hbm4b:s6+s2] =	stream.indirect_vreg.scatter [tilespmem:s9], [sflag:$0x1], $0x80, v3, vm0, $0xb8;
	[tilespmem:$0x10100] =	vst v63  }
0xb6: {  	v3 =	vld [tilespmem:$0xB0];
	_ =	sdelay $0x4  }
0xb7: {  	v63 =	vshll.u32 v3, $0x3  }
0xb8: {  	v3 =	vand.u32 $0x7, v3;
	v4 =	vand.u32 $0xFFFFFFC0, v63  }
0xb9: {  	v3 =	vor.u32 v3, v4  }
0xba: {  	v4 =	vperm.xlane v3, v0;
	_ =	sdelay $0x1  }
0xbb: {  	v4 =	vadd.s32 v1, v4;
	_ =	sdelay $0x3  }
0xbc: {  	s20 =	simm.s32 $0xC100  }
0xbd: {  	[hbm4b:s3+s2] =	stream.indirect_vreg.scatter [tilespmem:s20], [sflag:$0x1], $0x80, v4, vm0, $0xb8;
	[tilespmem:$0x10100] =	vst v63  }
0xbe: {  	s9 =	simm.s32 $0xC900;
	v3 =	vperm.xlane v3, v2  }
0xbf: {  	[hbm4b:s4+s2] =	stream.indirect_vreg.scatter [tilespmem:s9], [sflag:$0x1], $0x80, v4, vm0, $0xb8;
	[tilespmem:$0x10100] =	vst v63  }
0xc0: {  	s19 =	simm.s32 $0xD100;
	v3 =	vadd.s32 v1, v3  }
0xc1: {  	[hbm4b:s5+s2] =	stream.indirect_vreg.scatter [tilespmem:s19], [sflag:$0x1], $0x80, v4, vm0, $0xb8;
	[tilespmem:$0x10100] =	vst v63  }
0xc2: {  	s20 =	simm.s32 $0xD900  }
0xc3: {  	[hbm4b:s6+s2] =	stream.indirect_vreg.scatter [tilespmem:s20], [sflag:$0x1], $0x80, v4, vm0, $0xb8;
	[tilespmem:$0x10100] =	vst v63  }
0xc4: {  	s9 =	simm.s32 $0xE100  }
0xc5: {  	[hbm4b:s3+s2] =	stream.indirect_vreg.scatter [tilespmem:s9], [sflag:$0x1], $0x80, v3, vm0, $0xb8;
	[tilespmem:$0x10100] =	vst v63  }
0xc6: {  	s19 =	simm.s32 $0xE900  }
0xc7: {  	[hbm4b:s4+s2] =	stream.indirect_vreg.scatter [tilespmem:s19], [sflag:$0x1], $0x80, v3, vm0, $0xb8;
	[tilespmem:$0x10100] =	vst v63  }
0xc8: {  	p0 =	sne.s32 s7, $0x1;
	s20 =	simm.s32 $0xF100  }
0xc9: {  	[hbm4b:s5+s2] =	stream.indirect_vreg.scatter [tilespmem:s20], [sflag:$0x1], $0x80, v3, vm0, $0xb8;
	[tilespmem:$0x10100] =	vst v63  }
.Ltmp0:
0xca: {  	_ = 	snop;
	(pc) =	sbr.rel @p0 .LBB2_1-.Ltmp0, $4  }
0xcb: {  	[hbm4b:s6+s2] =	stream.indirect_vreg.scatter [tilespmem:s1], [sflag:$0x1], $0x80, v3, vm0, $0xb8;
	[tilespmem:$0x10100] =	vst v63  }
0xcc: {  	_ =	swait.ge [sflag:s18], $0x10000  }
0xcd: {  	[sflag:s18] =	ssyncset.done $0x0  }
0xce: {  	s7 =	sadd.s32 $0xFFFFFFFF, s7;
	[sflag:s18] =	ssyncadd.s32 $0xFFFF0000  }
0xcf: {  	_ =	sfence.sel $0x180000  }
0xd0: {  	[bflag:$0x0] =	sbarrier.arrive $0xFFFF  }
0xd1: {  	_ =	strace $0x90000047  }
0xd2: {  	s0 =	stileid.u32;
	[bflag:$0x2] =	sbarrier.arrive $0xFFFF  }
0xd3: {  	p0 =	sne.s32 s0, $0x0;
	s0 =	rddreg [dreg:$0x2]  }
0xd4: {  	s0 =	sadd.s32 @!p0 $0x100000, s0  }
0xd5: {  	[sflag:s0] =	ssyncadd.tile.s32 @!p0 $0x1;
	_ =	shalt  }
.Lfunc_end2:
_tile_overlayer_lowered:
.L_overlay_start_2:
0xd6: {  	(tag) =	ssettag $0x2  }
0xd7: {  	s0 =	rddreg [dreg:$0x0];
	s2 =	stileid.u32  }
0xd8: {  	s1 =	rddreg [dreg:$0x1];
	p0 =	sne.s32 s2, $0x0  }
0xd9: {  	s3 =	rddreg [dreg:$0x2];
	[bflag:$0x3] =	sbarrier.arrive $0xFFFF;
	s2 =	simm.s32 @!p0 $0x1C02  }
0xda: {  	[timem:s3], [sflag:s2] =	dma.local @!p0 [hbm:s0], s1  }
0xdb: {  	s0 =	simm.s32 @!p0 $0x2  }
0xdc: {  	_ =	swait.ge @!p0 [sflag:s0], s1  }
0xdd: {  	s1 =	ssub.s32 @!p0 $0x0, s1;
	[sflag:s0] =	ssyncset.done @!p0 $0x0  }
0xde: {  	[sflag:s0] =	ssyncadd.s32 @!p0 s1  }
0xdf: {  	[bflag:$0x3] =	sbarrier.arrive $0xFFFF  }
0xe0: {  	_ =	shalt  }

</sc_bundles>
